<compile_context>
chip_gen: v7x
topology: tpu7x:2x2x1
jax: 0.10.2.dev20260603
libtpu: 0.0.44.dev20260713+nightly
codegen_flags: <defaults>
</compile_context>

<pallas_src>
import functools

import jax
import jax.numpy as jnp
from jax import lax
from jax.experimental import pallas as pl
from jax.experimental.pallas import tpu as pltpu
from jax.experimental.pallas import tpu_sc as plsc

_H = 256
_E = 8
_K = 384
_T = 8192
_TILE_A = 512
_TILE_D = 256
_NW = 32
_CHUNK = _T // _NW


def _router_kernel(x_ref, wg_ref, xa_ref, idx_ref, rank_ref, cnt_ref,
                   offs_ref, carry_ref):
    i = pl.program_id(0)

    @pl.when(i == 0)
    def _():
        carry_ref[...] = jnp.zeros_like(carry_ref)

    x = x_ref[...]
    logits = jnp.dot(x, wg_ref[...], preferred_element_type=jnp.float32)
    m = jnp.max(logits, axis=-1, keepdims=True)
    denom = jnp.sum(jnp.exp(logits - m), axis=-1, keepdims=True)
    gate = 1.0 / denom
    idx = jnp.argmax(logits, axis=-1)
    onehot = (jax.lax.broadcasted_iota(jnp.int32, (_TILE_A, _E), 1)
              == idx[:, None]).astype(jnp.float32)

    r_iota = jax.lax.broadcasted_iota(jnp.int32, (_TILE_A, _TILE_A), 0)
    c_iota = jax.lax.broadcasted_iota(jnp.int32, (_TILE_A, _TILE_A), 1)
    ltri = (c_iota < r_iota).astype(jnp.float32)
    excl = jnp.dot(ltri, onehot, preferred_element_type=jnp.float32)
    carry = carry_ref[0:1, 0:_E]
    rank_f = jnp.sum((excl + carry) * onehot, axis=-1)
    new_carry = carry + jnp.sum(onehot, axis=0, keepdims=True)

    carry_ref[0:1, 0:_E] = new_carry
    cnt16 = jnp.concatenate(
        [new_carry, jnp.zeros((1, _E), jnp.float32)], axis=1)
    cnt_i = cnt16.astype(jnp.int32)
    cnt_ref[...] = cnt_i
    p = jnp.concatenate([jnp.zeros((1, 1), jnp.int32), cnt_i[:, :15]], axis=1)
    for sh in (1, 2, 4, 8):
        p = p + jnp.concatenate(
            [jnp.zeros((1, sh), jnp.int32), p[:, :16 - sh]], axis=1)
    offs_ref[...] = p

    xg = x * gate
    gpad = jnp.where(
        jax.lax.broadcasted_iota(jnp.int32, (_TILE_A, _K - _H), 1) == 0,
        gate, 0.0)
    xa_ref[...] = jnp.concatenate([xg, gpad], axis=1)
    idx_ref[...] = idx.reshape(1, 1, _TILE_A)
    rank_ref[...] = rank_f.astype(jnp.int32).reshape(1, 1, _TILE_A)


def _run_router(xt, Wg):
    return pl.pallas_call(
        _router_kernel,
        grid=(_T // _TILE_A,),
        in_specs=[
            pl.BlockSpec((_TILE_A, _H), lambda i: (i, 0)),
            pl.BlockSpec((_H, _E), lambda i: (0, 0)),
        ],
        out_specs=[
            pl.BlockSpec((_TILE_A, _K), lambda i: (i, 0)),
            pl.BlockSpec((1, 1, _TILE_A), lambda i: (i, 0, 0)),
            pl.BlockSpec((1, 1, _TILE_A), lambda i: (i, 0, 0)),
            pl.BlockSpec((1, 16), lambda i: (0, 0)),
            pl.BlockSpec((1, 16), lambda i: (0, 0)),
        ],
        out_shape=[
            jax.ShapeDtypeStruct((_T, _K), jnp.float32),
            jax.ShapeDtypeStruct((_T // _TILE_A, 1, _TILE_A), jnp.int32),
            jax.ShapeDtypeStruct((_T // _TILE_A, 1, _TILE_A), jnp.int32),
            jax.ShapeDtypeStruct((1, 16), jnp.int32),
            jax.ShapeDtypeStruct((1, 16), jnp.int32),
        ],
        scratch_shapes=[pltpu.VMEM((1, 16), jnp.float32)],
    )(xt, Wg)


def _wid():
    return lax.axis_index("s") * 2 + lax.axis_index("c")


def _b_body(offs_hbm, idx_hbm, rank_hbm, xa_hbm, pos_hbm, xs_hbm,
            offs_v, idx_v, rank_v, posw_v, rows_v, sem):
    w = _wid()
    base = w * _CHUNK
    pltpu.sync_copy(offs_hbm, offs_v)
    pltpu.sync_copy(idx_hbm.at[pl.ds(base, _CHUNK)], idx_v)
    pltpu.sync_copy(rank_hbm.at[pl.ds(base, _CHUNK)], rank_v)
    pltpu.sync_copy(xa_hbm.at[pl.ds(base, _CHUNK)], rows_v)
    for j in range(_CHUNK // 16):
        iv = jnp.clip(idx_v[pl.ds(j * 16, 16)], 0, 15)
        rv = rank_v[pl.ds(j * 16, 16)]
        off = plsc.load_gather(offs_v, [iv])
        posw_v[j // 8, pl.ds((j % 8) * 16, 16)] = jnp.clip(
            off + rv, 0, _T - 1)
    pltpu.sync_copy(posw_v, pos_hbm.at[pl.ds(2 * w, 2)])
    for b in range(2):
        pltpu.async_copy(rows_v.at[pl.ds(b * 128, 128)],
                         xs_hbm.at[posw_v.at[b]], sem).wait()


def _run_b(offs, idx_l, rank_l, xa):
    mesh = plsc.VectorSubcoreMesh(core_axis_name="c", subcore_axis_name="s")
    f = functools.partial(
        pl.kernel, mesh=mesh,
        out_type=[
            jax.ShapeDtypeStruct((_T // 128, 128), jnp.int32),
            jax.ShapeDtypeStruct((_T, _K), jnp.float32),
        ],
        scratch_types=[
            pltpu.VMEM((16,), jnp.int32),
            pltpu.VMEM((_CHUNK,), jnp.int32),
            pltpu.VMEM((_CHUNK,), jnp.int32),
            pltpu.VMEM((2, 128), jnp.int32),
            pltpu.VMEM((_CHUNK, _K), jnp.float32),
            pltpu.SemaphoreType.DMA,
        ],
        compiler_params=pltpu.CompilerParams(needs_layout_passes=False),
    )(_b_body)
    return f(offs, idx_l, rank_l, xa)


def _gmm_kernel(cnt_ref, xs_ref, w_ref, o_ref):
    i = pl.program_id(0)
    row0 = i * _TILE_D
    x = xs_ref[...].astype(jnp.bfloat16)
    riota = jax.lax.broadcasted_iota(jnp.int32, (_TILE_D, 1), 0) + row0
    o_ref[...] = jnp.zeros((_TILE_D, _H), jnp.float32)
    lo = jnp.int32(0)
    for e in range(_E):
        hi = lo + cnt_ref[e]

        @pl.when(jnp.logical_and(hi > row0, lo < row0 + _TILE_D))
        def _(lo=lo, hi=hi):
            part = jnp.dot(x, w_ref[e], preferred_element_type=jnp.float32)
            mask = jnp.logical_and(riota >= lo, riota < hi)
            o_ref[...] += jnp.where(mask, part, 0.0)

        lo = hi


def _run_gmm(counts, xs, Waug):
    return pl.pallas_call(
        _gmm_kernel,
        grid_spec=pltpu.PrefetchScalarGridSpec(
            num_scalar_prefetch=1,
            grid=(_T // _TILE_D,),
            in_specs=[
                pl.BlockSpec((_TILE_D, _K), lambda i, c: (i, 0)),
                pl.BlockSpec((_E, _K, _H), lambda i, c: (0, 0, 0)),
            ],
            out_specs=pl.BlockSpec((_TILE_D, _H), lambda i, c: (i, 0)),
        ),
        out_shape=jax.ShapeDtypeStruct((_T, _H), jnp.float32),
    )(counts, xs, Waug)


def _c_body(ys_hbm, pos_hbm, out_hbm, posw_v, rows_v, sem):
    w = _wid()
    base = w * _CHUNK
    pltpu.sync_copy(pos_hbm.at[pl.ds(2 * w, 2)], posw_v)
    for b in range(2):
        pltpu.async_copy(ys_hbm.at[posw_v.at[b]],
                         rows_v.at[pl.ds(b * 128, 128)], sem).wait()
    pltpu.sync_copy(rows_v, out_hbm.at[pl.ds(base, _CHUNK)])


def _run_c(ys, pos):
    mesh = plsc.VectorSubcoreMesh(core_axis_name="c", subcore_axis_name="s")
    f = functools.partial(
        pl.kernel, mesh=mesh,
        out_type=jax.ShapeDtypeStruct((_T, _H), jnp.float32),
        scratch_types=[
            pltpu.VMEM((2, 128), jnp.int32),
            pltpu.VMEM((_CHUNK, _H), jnp.float32),
            pltpu.SemaphoreType.DMA,
        ],
    )(_c_body)
    return f(ys, pos)


def kernel(x, Wg, We, be):
    B, S, H = x.shape
    xt = x.reshape(-1, H)

    xa, idx3, rank3, cnt2, offs2 = _run_router(xt, Wg)
    idx_l = idx3.reshape(_T)
    rank_l = rank3.reshape(_T)
    counts = cnt2.reshape(16)
    offs = offs2.reshape(16)

    pos2d, xs = _run_b(offs, idx_l, rank_l, xa)

    Waug = jnp.concatenate(
        [We, be[:, None, :],
         jnp.zeros((_E, _K - _H - 1, _H), jnp.float32)],
        axis=1).astype(jnp.bfloat16)
    ys = _run_gmm(counts[:_E], xs, Waug)

    out = _run_c(ys, pos2d)
    return out.reshape(B, S, H)

# --- scband reference (transcript-rebuilt; emitter-appended) ---
"""Pipeline reference for scband-mo-eblock-2499670966563 (READ-ONLY COPY).

The authoritative reference and input builder live on the scoring server;
editing this copy changes nothing except your own understanding.
"""

import jax, jax.numpy as jnp
import numpy as np

HIDDEN = 256
NUM_EXPERTS = 8

def setup_inputs(seed: int = 0) -> dict:
    key = jax.random.key(seed)
    k1, k2, k3, k4 = jax.random.split(key, 4)
    x = jax.random.normal(k1, (2, 4096, HIDDEN), dtype=jnp.float32)
    # router (gate) weight: Linear(hidden -> num_experts), no bias (DeepSpeed TopKGate style)
    Wg = jax.random.normal(k2, (HIDDEN, NUM_EXPERTS), dtype=jnp.float32) * 0.02
    # expert weights: num_experts copies of nn.Linear(hidden, hidden)
    We = jax.random.normal(k3, (NUM_EXPERTS, HIDDEN, HIDDEN), dtype=jnp.float32) * 0.02
    be = jax.random.normal(k4, (NUM_EXPERTS, HIDDEN), dtype=jnp.float32) * 0.02
    return {"x": x, "Wg": Wg, "We": We, "be": be}

def reference(x, Wg, We, be):
    # Faithful top-1 MoE forward (DeepSpeed MoE with k=1, no token dropping):
    # 1) gate logits -> softmax -> top-1 expert index and gate value
    # 2) each token processed by its selected expert's Linear(hidden, hidden)
    # 3) output scaled by the gate probability
    B, S, H = x.shape
    xt = x.reshape(-1, H)  # [T, H] flattened tokens
    logits = xt @ Wg                           # [T, E]
    gates = jax.nn.softmax(logits, axis=-1)    # [T, E]
    idx = jnp.argmax(gates, axis=-1)           # [T] top-1 expert id (int)
    gate_val = jnp.take_along_axis(gates, idx[:, None], axis=1)[:, 0]  # [T]
    # compute all expert outputs, then select per-token (math identical to dispatch/combine)
    all_out = jnp.einsum('td,edh->teh', xt, We) + be[None, :, :]  # [T, E, H]
    sel = jnp.take_along_axis(all_out, idx[:, None, None], axis=1)[:, 0, :]  # [T, H]
    out = gate_val[:, None] * sel
    return out.reshape(B, S, H)

if __name__ == "__main__":
    import jax
    _d = setup_inputs()
    print(jax.jit(kernel)(*tuple(_d.values())))

</pallas_src>

<mosaic_0001>
#map = affine_map<(d0, d1) -> (0, 0)>
module attributes {stable_mosaic.version = 14 : i64} {
  func.func @_c_body(%arg0: i32, %arg1: i32, %arg2: memref<8192x256xf32, #tpu.memory_space<hbm>>, %arg3: memref<64x128xi32, #tpu.memory_space<hbm>>, %arg4: memref<8192x256xf32, #tpu.memory_space<hbm>>, %arg5: memref<2x128xi32, #tpu.memory_space<vmem>>, %arg6: memref<256x256xf32, #tpu.memory_space<vmem>>, %arg7: memref<!tpu.dma_semaphore, #tpu.memory_space<semaphore_mem>>) attributes {dimension_semantics = [#tpu.dimension_semantics<core_parallel>, #tpu.dimension_semantics<subcore_parallel>], iteration_bounds = array<i64: 2, 16>, scalar_prefetch = 0 : i64, scratch_operands = 3 : i64, tpu.core_type = #tpu.core_type<sc_vector_subcore>, window_params = [{transform_indices = #map}, {transform_indices = #map}, {transform_indices = #map}]} {
    %mul3A = arith.constant 2 : i32
    %mul3A_0 = arith.muli %arg1, %mul3A : i32
    %add3A = arith.addi %mul3A_0, %arg0 : i32
    %mul3A_1 = arith.constant 256 : i32
    %mul3A_2 = arith.muli %add3A, %mul3A_1 : i32
    %mul3A_3 = arith.constant 2 : i32
    %mul3A_4 = arith.muli %mul3A_3, %add3A : i32
    "tpu.region"() ({
      %run_scoped3A = tpu.sem_alloc : memref<!tpu.dma_semaphore, #tpu.memory_space<semaphore_mem>>
      %dma_start3A_43 = arith.constant 0 : i32
      %dma_start3A_44 = tpu.memref_slice %arg3[%mul3A_4, %dma_start3A_43] : memref<64x128xi32, #tpu.memory_space<hbm>> -> memref<2x128xi32, #tpu.memory_space<hbm>>
      %dma_start3A_45 = arith.constant 0 : i32
      %dma_start3A_46 = tpu.memref_slice %arg3[%mul3A_4, %dma_start3A_45] : memref<64x128xi32, #tpu.memory_space<hbm>> -> memref<2x128xi32, #tpu.memory_space<hbm>>
      tpu.enqueue_dma source(%dma_start3A_46 : memref<2x128xi32, #tpu.memory_space<hbm>>) target(%arg5 : memref<2x128xi32, #tpu.memory_space<vmem>>) target_semaphore(%run_scoped3A : memref<!tpu.dma_semaphore, #tpu.memory_space<semaphore_mem>>)
      %dma_wait3A_47 = arith.constant 0 : i32
      %dma_wait3A_48 = tpu.memref_slice %arg3[%mul3A_4, %dma_wait3A_47] : memref<64x128xi32, #tpu.memory_space<hbm>> -> memref<2x128xi32, #tpu.memory_space<hbm>>
      %dma_wait3A_49 = arith.constant 0 : i32
      %dma_wait3A_50 = tpu.memref_slice %arg3[%mul3A_4, %dma_wait3A_49] : memref<64x128xi32, #tpu.memory_space<hbm>> -> memref<2x128xi32, #tpu.memory_space<hbm>>
      tpu.wait_dma2 semaphore(%run_scoped3A : memref<!tpu.dma_semaphore, #tpu.memory_space<semaphore_mem>>) src(%dma_wait3A_50 : memref<2x128xi32, #tpu.memory_space<hbm>>) dst(%arg5 : memref<2x128xi32, #tpu.memory_space<vmem>>)
      tpu.yield
    }) : () -> ()
    %dma_start3A = arith.constant 0 : i32
    %dma_start3A_5 = arith.constant 0 : i32
    %dma_start3A_6 = arith.constant 0 : i32
    %dma_start3A_7 = tpu.memref_slice %arg6[%dma_start3A_5, %dma_start3A_6] : memref<256x256xf32, #tpu.memory_space<vmem>> -> memref<128x256xf32, #tpu.memory_space<vmem>>
    %dma_start3A_8 = arith.constant 0 : i32
    %dma_start3A_9 = tpu.memref_slice %arg5[%dma_start3A, %dma_start3A_8] : memref<2x128xi32, #tpu.memory_space<vmem>> -> memref<1x128xi32, #tpu.memory_space<vmem>>
    %dma_start3A_10 = tpu.memref_squeeze %dma_start3A_9 : memref<1x128xi32, #tpu.memory_space<vmem>> -> memref<128xi32, #tpu.memory_space<vmem>>
    %dma_start3A_11 = arith.constant 0 : i32
    %dma_start3A_12 = arith.constant 0 : i32
    %dma_start3A_13 = tpu.memref_slice %arg2[%dma_start3A_11, %dma_start3A_12] : memref<8192x256xf32, #tpu.memory_space<hbm>> -> memref<8192x256xf32, #tpu.memory_space<hbm>>
    tpu.enqueue_indirect_dma source(%dma_start3A_13 : memref<8192x256xf32, #tpu.memory_space<hbm>>) target(%dma_start3A_7 : memref<128x256xf32, #tpu.memory_space<vmem>>) offsets(%dma_start3A_10 : memref<128xi32, #tpu.memory_space<vmem>>) semaphore(%arg7 : memref<!tpu.dma_semaphore, #tpu.memory_space<semaphore_mem>>)
    %dma_wait3A = arith.constant 0 : i32
    %dma_wait3A_14 = arith.constant 0 : i32
    %dma_wait3A_15 = arith.constant 0 : i32
    %dma_wait3A_16 = tpu.memref_slice %arg6[%dma_wait3A_14, %dma_wait3A_15] : memref<256x256xf32, #tpu.memory_space<vmem>> -> memref<128x256xf32, #tpu.memory_space<vmem>>
    %dma_wait3A_17 = arith.constant 0 : i32
    %dma_wait3A_18 = tpu.memref_slice %arg5[%dma_wait3A, %dma_wait3A_17] : memref<2x128xi32, #tpu.memory_space<vmem>> -> memref<1x128xi32, #tpu.memory_space<vmem>>
    %dma_wait3A_19 = tpu.memref_squeeze %dma_wait3A_18 : memref<1x128xi32, #tpu.memory_space<vmem>> -> memref<128xi32, #tpu.memory_space<vmem>>
    %dma_wait3A_20 = arith.constant 0 : i32
    %dma_wait3A_21 = arith.constant 0 : i32
    %dma_wait3A_22 = tpu.memref_slice %arg2[%dma_wait3A_20, %dma_wait3A_21] : memref<8192x256xf32, #tpu.memory_space<hbm>> -> memref<8192x256xf32, #tpu.memory_space<hbm>>
    tpu.wait_indirect_dma semaphore(%arg7 : memref<!tpu.dma_semaphore, #tpu.memory_space<semaphore_mem>>) src(%dma_wait3A_22 : memref<8192x256xf32, #tpu.memory_space<hbm>>) dst(%dma_wait3A_16 : memref<128x256xf32, #tpu.memory_space<vmem>>)
    %dma_start3A_23 = arith.constant 1 : i32
    %dma_start3A_24 = arith.constant 128 : i32
    %dma_start3A_25 = arith.constant 0 : i32
    %dma_start3A_26 = tpu.memref_slice %arg6[%dma_start3A_24, %dma_start3A_25] : memref<256x256xf32, #tpu.memory_space<vmem>> -> memref<128x256xf32, #tpu.memory_space<vmem>>
    %dma_start3A_27 = arith.constant 0 : i32
    %dma_start3A_28 = tpu.memref_slice %arg5[%dma_start3A_23, %dma_start3A_27] : memref<2x128xi32, #tpu.memory_space<vmem>> -> memref<1x128xi32, #tpu.memory_space<vmem>>
    %dma_start3A_29 = tpu.memref_squeeze %dma_start3A_28 : memref<1x128xi32, #tpu.memory_space<vmem>> -> memref<128xi32, #tpu.memory_space<vmem>>
    %dma_start3A_30 = arith.constant 0 : i32
    %dma_start3A_31 = arith.constant 0 : i32
    %dma_start3A_32 = tpu.memref_slice %arg2[%dma_start3A_30, %dma_start3A_31] : memref<8192x256xf32, #tpu.memory_space<hbm>> -> memref<8192x256xf32, #tpu.memory_space<hbm>>
    tpu.enqueue_indirect_dma source(%dma_start3A_32 : memref<8192x256xf32, #tpu.memory_space<hbm>>) target(%dma_start3A_26 : memref<128x256xf32, #tpu.memory_space<vmem>>) offsets(%dma_start3A_29 : memref<128xi32, #tpu.memory_space<vmem>>) semaphore(%arg7 : memref<!tpu.dma_semaphore, #tpu.memory_space<semaphore_mem>>)
    %dma_wait3A_33 = arith.constant 1 : i32
    %dma_wait3A_34 = arith.constant 128 : i32
    %dma_wait3A_35 = arith.constant 0 : i32
    %dma_wait3A_36 = tpu.memref_slice %arg6[%dma_wait3A_34, %dma_wait3A_35] : memref<256x256xf32, #tpu.memory_space<vmem>> -> memref<128x256xf32, #tpu.memory_space<vmem>>
    %dma_wait3A_37 = arith.constant 0 : i32
    %dma_wait3A_38 = tpu.memref_slice %arg5[%dma_wait3A_33, %dma_wait3A_37] : memref<2x128xi32, #tpu.memory_space<vmem>> -> memref<1x128xi32, #tpu.memory_space<vmem>>
    %dma_wait3A_39 = tpu.memref_squeeze %dma_wait3A_38 : memref<1x128xi32, #tpu.memory_space<vmem>> -> memref<128xi32, #tpu.memory_space<vmem>>
    %dma_wait3A_40 = arith.constant 0 : i32
    %dma_wait3A_41 = arith.constant 0 : i32
    %dma_wait3A_42 = tpu.memref_slice %arg2[%dma_wait3A_40, %dma_wait3A_41] : memref<8192x256xf32, #tpu.memory_space<hbm>> -> memref<8192x256xf32, #tpu.memory_space<hbm>>
    tpu.wait_indirect_dma semaphore(%arg7 : memref<!tpu.dma_semaphore, #tpu.memory_space<semaphore_mem>>) src(%dma_wait3A_42 : memref<8192x256xf32, #tpu.memory_space<hbm>>) dst(%dma_wait3A_36 : memref<128x256xf32, #tpu.memory_space<vmem>>)
    "tpu.region"() ({
      %run_scoped3A = tpu.sem_alloc : memref<!tpu.dma_semaphore, #tpu.memory_space<semaphore_mem>>
      %dma_start3A_43 = arith.constant 0 : i32
      %dma_start3A_44 = tpu.memref_slice %arg4[%mul3A_2, %dma_start3A_43] : memref<8192x256xf32, #tpu.memory_space<hbm>> -> memref<256x256xf32, #tpu.memory_space<hbm>>
      %dma_start3A_45 = arith.constant 0 : i32
      %dma_start3A_46 = tpu.memref_slice %arg4[%mul3A_2, %dma_start3A_45] : memref<8192x256xf32, #tpu.memory_space<hbm>> -> memref<256x256xf32, #tpu.memory_space<hbm>>
      tpu.enqueue_dma source(%arg6 : memref<256x256xf32, #tpu.memory_space<vmem>>) target(%dma_start3A_46 : memref<256x256xf32, #tpu.memory_space<hbm>>) target_semaphore(%run_scoped3A : memref<!tpu.dma_semaphore, #tpu.memory_space<semaphore_mem>>)
      %dma_wait3A_47 = arith.constant 0 : i32
      %dma_wait3A_48 = tpu.memref_slice %arg4[%mul3A_2, %dma_wait3A_47] : memref<8192x256xf32, #tpu.memory_space<hbm>> -> memref<256x256xf32, #tpu.memory_space<hbm>>
      %dma_wait3A_49 = arith.constant 0 : i32
      %dma_wait3A_50 = tpu.memref_slice %arg4[%mul3A_2, %dma_wait3A_49] : memref<8192x256xf32, #tpu.memory_space<hbm>> -> memref<256x256xf32, #tpu.memory_space<hbm>>
      tpu.wait_dma2 semaphore(%run_scoped3A : memref<!tpu.dma_semaphore, #tpu.memory_space<semaphore_mem>>) src(%arg6 : memref<256x256xf32, #tpu.memory_space<vmem>>) dst(%dma_wait3A_50 : memref<256x256xf32, #tpu.memory_space<hbm>>)
      tpu.yield
    }) : () -> ()
    return
  }
}

#map = affine_map<(d0, d1) -> (0)>
#map1 = affine_map<(d0, d1) -> (0, 0)>
module attributes {stable_mosaic.version = 14 : i64} {
  func.func @_b_body(%arg0: i32, %arg1: i32, %arg2: memref<16xi32, #tpu.memory_space<hbm>>, %arg3: memref<8192xi32, #tpu.memory_space<hbm>>, %arg4: memref<8192xi32, #tpu.memory_space<hbm>>, %arg5: memref<8192x384xf32, #tpu.memory_space<hbm>>, %arg6: memref<64x128xi32, #tpu.memory_space<hbm>>, %arg7: memref<8192x384xf32, #tpu.memory_space<hbm>>, %arg8: memref<16xi32, #tpu.memory_space<vmem>>, %arg9: memref<256xi32, #tpu.memory_space<vmem>>, %arg10: memref<256xi32, #tpu.memory_space<vmem>>, %arg11: memref<2x128xi32, #tpu.memory_space<vmem>>, %arg12: memref<256x384xf32, #tpu.memory_space<vmem>>, %arg13: memref<!tpu.dma_semaphore, #tpu.memory_space<semaphore_mem>>) attributes {dimension_semantics = [#tpu.dimension_semantics<core_parallel>, #tpu.dimension_semantics<subcore_parallel>], iteration_bounds = array<i64: 2, 16>, scalar_prefetch = 0 : i64, scratch_operands = 6 : i64, tpu.core_type = #tpu.core_type<sc_vector_subcore>, window_params = [{transform_indices = #map}, {transform_indices = #map}, {transform_indices = #map}, {transform_indices = #map1}, {transform_indices = #map1}, {transform_indices = #map1}]} {
    %mul3A = arith.constant 2 : i32
    %mul3A_0 = arith.muli %arg1, %mul3A : i32
    %add3A = arith.addi %mul3A_0, %arg0 : i32
    %mul3A_1 = arith.constant 256 : i32
    %mul3A_2 = arith.muli %add3A, %mul3A_1 : i32
    "tpu.region"() ({
      %run_scoped3A = tpu.sem_alloc : memref<!tpu.dma_semaphore, #tpu.memory_space<semaphore_mem>>
      tpu.enqueue_dma source(%arg2 : memref<16xi32, #tpu.memory_space<hbm>>) target(%arg8 : memref<16xi32, #tpu.memory_space<vmem>>) target_semaphore(%run_scoped3A : memref<!tpu.dma_semaphore, #tpu.memory_space<semaphore_mem>>)
      tpu.wait_dma2 semaphore(%run_scoped3A : memref<!tpu.dma_semaphore, #tpu.memory_space<semaphore_mem>>) src(%arg2 : memref<16xi32, #tpu.memory_space<hbm>>) dst(%arg8 : memref<16xi32, #tpu.memory_space<vmem>>)
      tpu.yield
    }) : () -> ()
    "tpu.region"() ({
      %run_scoped3A = tpu.sem_alloc : memref<!tpu.dma_semaphore, #tpu.memory_space<semaphore_mem>>
      %dma_start3A_389 = tpu.memref_slice %arg3[%mul3A_2] : memref<8192xi32, #tpu.memory_space<hbm>> -> memref<256xi32, #tpu.memory_space<hbm>>
      %dma_start3A_390 = tpu.memref_slice %arg3[%mul3A_2] : memref<8192xi32, #tpu.memory_space<hbm>> -> memref<256xi32, #tpu.memory_space<hbm>>
      tpu.enqueue_dma source(%dma_start3A_390 : memref<256xi32, #tpu.memory_space<hbm>>) target(%arg9 : memref<256xi32, #tpu.memory_space<vmem>>) target_semaphore(%run_scoped3A : memref<!tpu.dma_semaphore, #tpu.memory_space<semaphore_mem>>)
      %dma_wait3A_391 = tpu.memref_slice %arg3[%mul3A_2] : memref<8192xi32, #tpu.memory_space<hbm>> -> memref<256xi32, #tpu.memory_space<hbm>>
      %dma_wait3A_392 = tpu.memref_slice %arg3[%mul3A_2] : memref<8192xi32, #tpu.memory_space<hbm>> -> memref<256xi32, #tpu.memory_space<hbm>>
      tpu.wait_dma2 semaphore(%run_scoped3A : memref<!tpu.dma_semaphore, #tpu.memory_space<semaphore_mem>>) src(%dma_wait3A_392 : memref<256xi32, #tpu.memory_space<hbm>>) dst(%arg9 : memref<256xi32, #tpu.memory_space<vmem>>)
      tpu.yield
    }) : () -> ()
    "tpu.region"() ({
      %run_scoped3A = tpu.sem_alloc : memref<!tpu.dma_semaphore, #tpu.memory_space<semaphore_mem>>
      %dma_start3A_389 = tpu.memref_slice %arg4[%mul3A_2] : memref<8192xi32, #tpu.memory_space<hbm>> -> memref<256xi32, #tpu.memory_space<hbm>>
      %dma_start3A_390 = tpu.memref_slice %arg4[%mul3A_2] : memref<8192xi32, #tpu.memory_space<hbm>> -> memref<256xi32, #tpu.memory_space<hbm>>
      tpu.enqueue_dma source(%dma_start3A_390 : memref<256xi32, #tpu.memory_space<hbm>>) target(%arg10 : memref<256xi32, #tpu.memory_space<vmem>>) target_semaphore(%run_scoped3A : memref<!tpu.dma_semaphore, #tpu.memory_space<semaphore_mem>>)
      %dma_wait3A_391 = tpu.memref_slice %arg4[%mul3A_2] : memref<8192xi32, #tpu.memory_space<hbm>> -> memref<256xi32, #tpu.memory_space<hbm>>
      %dma_wait3A_392 = tpu.memref_slice %arg4[%mul3A_2] : memref<8192xi32, #tpu.memory_space<hbm>> -> memref<256xi32, #tpu.memory_space<hbm>>
      tpu.wait_dma2 semaphore(%run_scoped3A : memref<!tpu.dma_semaphore, #tpu.memory_space<semaphore_mem>>) src(%dma_wait3A_392 : memref<256xi32, #tpu.memory_space<hbm>>) dst(%arg10 : memref<256xi32, #tpu.memory_space<vmem>>)
      tpu.yield
    }) : () -> ()
    "tpu.region"() ({
      %run_scoped3A = tpu.sem_alloc : memref<!tpu.dma_semaphore, #tpu.memory_space<semaphore_mem>>
      %dma_start3A_389 = arith.constant 0 : i32
      %dma_start3A_390 = tpu.memref_slice %arg5[%mul3A_2, %dma_start3A_389] : memref<8192x384xf32, #tpu.memory_space<hbm>> -> memref<256x384xf32, #tpu.memory_space<hbm>>
      %dma_start3A_391 = arith.constant 0 : i32
      %dma_start3A_392 = tpu.memref_slice %arg5[%mul3A_2, %dma_start3A_391] : memref<8192x384xf32, #tpu.memory_space<hbm>> -> memref<256x384xf32, #tpu.memory_space<hbm>>
      tpu.enqueue_dma source(%dma_start3A_392 : memref<256x384xf32, #tpu.memory_space<hbm>>) target(%arg12 : memref<256x384xf32, #tpu.memory_space<vmem>>) target_semaphore(%run_scoped3A : memref<!tpu.dma_semaphore, #tpu.memory_space<semaphore_mem>>)
      %dma_wait3A_393 = arith.constant 0 : i32
      %dma_wait3A_394 = tpu.memref_slice %arg5[%mul3A_2, %dma_wait3A_393] : memref<8192x384xf32, #tpu.memory_space<hbm>> -> memref<256x384xf32, #tpu.memory_space<hbm>>
      %dma_wait3A_395 = arith.constant 0 : i32
      %dma_wait3A_396 = tpu.memref_slice %arg5[%mul3A_2, %dma_wait3A_395] : memref<8192x384xf32, #tpu.memory_space<hbm>> -> memref<256x384xf32, #tpu.memory_space<hbm>>
      tpu.wait_dma2 semaphore(%run_scoped3A : memref<!tpu.dma_semaphore, #tpu.memory_space<semaphore_mem>>) src(%dma_wait3A_396 : memref<256x384xf32, #tpu.memory_space<hbm>>) dst(%arg12 : memref<256x384xf32, #tpu.memory_space<vmem>>)
      tpu.yield
    }) : () -> ()
    %get3A = arith.constant 0 : index
    %get3A_3 = tpu.vector_load %arg9[%get3A] {strides = array<i32>} : memref<256xi32, #tpu.memory_space<vmem>>, vector<16xi32>,
    %jit3A = arith.constant 0 : i32
    %jit3A_4 = arith.constant 15 : i32
    %max3A = vector.broadcast %jit3A : i32 to vector<16xi32>
    %max3A_5 = arith.maxsi %max3A, %get3A_3 : vector<16xi32>
    %min3A = vector.broadcast %jit3A_4 : i32 to vector<16xi32>
    %min3A_6 = arith.minsi %min3A, %max3A_5 : vector<16xi32>
    %get3A_7 = arith.constant 0 : index
    %get3A_8 = tpu.vector_load %arg10[%get3A_7] {strides = array<i32>} : memref<256xi32, #tpu.memory_space<vmem>>, vector<16xi32>,
    %gather3A = tpu.vector_load_idx %arg8[%min3A_6] : memref<16xi32, #tpu.memory_space<vmem>>[vector<16xi32>], vector<16xi32>,
    %add3A_9 = arith.addi %gather3A, %get3A_8 : vector<16xi32>
    %jit3A_10 = arith.constant 0 : i32
    %jit3A_11 = arith.constant 8191 : i32
    %max3A_12 = vector.broadcast %jit3A_10 : i32 to vector<16xi32>
    %max3A_13 = arith.maxsi %max3A_12, %add3A_9 : vector<16xi32>
    %min3A_14 = vector.broadcast %jit3A_11 : i32 to vector<16xi32>
    %min3A_15 = arith.minsi %min3A_14, %max3A_13 : vector<16xi32>
    %swap3A = arith.constant 0 : i32
    %swap3A_16 = arith.index_cast %swap3A : i32 to index
    %swap3A_17 = arith.constant 0 : index
    %swap3A_18 = tpu.vector_load %arg11[%swap3A_16, %swap3A_17] {strides = array<i32>} : memref<2x128xi32, #tpu.memory_space<vmem>>, vector<16xi32>,
    tpu.vector_store %arg11[%swap3A_16, %swap3A_17], %min3A_15 {strides = array<i32>} : memref<2x128xi32, #tpu.memory_space<vmem>>, vector<16xi32>,
    %get3A_19 = arith.constant 16 : index
    %get3A_20 = tpu.vector_load %arg9[%get3A_19] {strides = array<i32>} : memref<256xi32, #tpu.memory_space<vmem>>, vector<16xi32>,
    %jit3A_21 = arith.constant 0 : i32
    %jit3A_22 = arith.constant 15 : i32
    %max3A_23 = vector.broadcast %jit3A_21 : i32 to vector<16xi32>
    %max3A_24 = arith.maxsi %max3A_23, %get3A_20 : vector<16xi32>
    %min3A_25 = vector.broadcast %jit3A_22 : i32 to vector<16xi32>
    %min3A_26 = arith.minsi %min3A_25, %max3A_24 : vector<16xi32>
    %get3A_27 = arith.constant 16 : index
    %get3A_28 = tpu.vector_load %arg10[%get3A_27] {strides = array<i32>} : memref<256xi32, #tpu.memory_space<vmem>>, vector<16xi32>,
    %gather3A_29 = tpu.vector_load_idx %arg8[%min3A_26] : memref<16xi32, #tpu.memory_space<vmem>>[vector<16xi32>], vector<16xi32>,
    %add3A_30 = arith.addi %gather3A_29, %get3A_28 : vector<16xi32>
    %jit3A_31 = arith.constant 0 : i32
    %jit3A_32 = arith.constant 8191 : i32
    %max3A_33 = vector.broadcast %jit3A_31 : i32 to vector<16xi32>
    %max3A_34 = arith.maxsi %max3A_33, %add3A_30 : vector<16xi32>
    %min3A_35 = vector.broadcast %jit3A_32 : i32 to vector<16xi32>
    %min3A_36 = arith.minsi %min3A_35, %max3A_34 : vector<16xi32>
    %swap3A_37 = arith.constant 0 : i32
    %swap3A_38 = arith.index_cast %swap3A_37 : i32 to index
    %swap3A_39 = arith.constant 16 : index
    %swap3A_40 = tpu.vector_load %arg11[%swap3A_38, %swap3A_39] {strides = array<i32>} : memref<2x128xi32, #tpu.memory_space<vmem>>, vector<16xi32>,
    tpu.vector_store %arg11[%swap3A_38, %swap3A_39], %min3A_36 {strides = array<i32>} : memref<2x128xi32, #tpu.memory_space<vmem>>, vector<16xi32>,
    %get3A_41 = arith.constant 32 : index
    %get3A_42 = tpu.vector_load %arg9[%get3A_41] {strides = array<i32>} : memref<256xi32, #tpu.memory_space<vmem>>, vector<16xi32>,
    %jit3A_43 = arith.constant 0 : i32
    %jit3A_44 = arith.constant 15 : i32
    %max3A_45 = vector.broadcast %jit3A_43 : i32 to vector<16xi32>
    %max3A_46 = arith.maxsi %max3A_45, %get3A_42 : vector<16xi32>
    %min3A_47 = vector.broadcast %jit3A_44 : i32 to vector<16xi32>
    %min3A_48 = arith.minsi %min3A_47, %max3A_46 : vector<16xi32>
    %get3A_49 = arith.constant 32 : index
    %get3A_50 = tpu.vector_load %arg10[%get3A_49] {strides = array<i32>} : memref<256xi32, #tpu.memory_space<vmem>>, vector<16xi32>,
    %gather3A_51 = tpu.vector_load_idx %arg8[%min3A_48] : memref<16xi32, #tpu.memory_space<vmem>>[vector<16xi32>], vector<16xi32>,
    %add3A_52 = arith.addi %gather3A_51, %get3A_50 : vector<16xi32>
    %jit3A_53 = arith.constant 0 : i32
    %jit3A_54 = arith.constant 8191 : i32
    %max3A_55 = vector.broadcast %jit3A_53 : i32 to vector<16xi32>
    %max3A_56 = arith.maxsi %max3A_55, %add3A_52 : vector<16xi32>
    %min3A_57 = vector.broadcast %jit3A_54 : i32 to vector<16xi32>
    %min3A_58 = arith.minsi %min3A_57, %max3A_56 : vector<16xi32>
    %swap3A_59 = arith.constant 0 : i32
    %swap3A_60 = arith.index_cast %swap3A_59 : i32 to index
    %swap3A_61 = arith.constant 32 : index
    %swap3A_62 = tpu.vector_load %arg11[%swap3A_60, %swap3A_61] {strides = array<i32>} : memref<2x128xi32, #tpu.memory_space<vmem>>, vector<16xi32>,
    tpu.vector_store %arg11[%swap3A_60, %swap3A_61], %min3A_58 {strides = array<i32>} : memref<2x128xi32, #tpu.memory_space<vmem>>, vector<16xi32>,
    %get3A_63 = arith.constant 48 : index
    %get3A_64 = tpu.vector_load %arg9[%get3A_63] {strides = array<i32>} : memref<256xi32, #tpu.memory_space<vmem>>, vector<16xi32>,
    %jit3A_65 = arith.constant 0 : i32
    %jit3A_66 = arith.constant 15 : i32
    %max3A_67 = vector.broadcast %jit3A_65 : i32 to vector<16xi32>
    %max3A_68 = arith.maxsi %max3A_67, %get3A_64 : vector<16xi32>
    %min3A_69 = vector.broadcast %jit3A_66 : i32 to vector<16xi32>
    %min3A_70 = arith.minsi %min3A_69, %max3A_68 : vector<16xi32>
    %get3A_71 = arith.constant 48 : index
    %get3A_72 = tpu.vector_load %arg10[%get3A_71] {strides = array<i32>} : memref<256xi32, #tpu.memory_space<vmem>>, vector<16xi32>,
    %gather3A_73 = tpu.vector_load_idx %arg8[%min3A_70] : memref<16xi32, #tpu.memory_space<vmem>>[vector<16xi32>], vector<16xi32>,
    %add3A_74 = arith.addi %gather3A_73, %get3A_72 : vector<16xi32>
    %jit3A_75 = arith.constant 0 : i32
    %jit3A_76 = arith.constant 8191 : i32
    %max3A_77 = vector.broadcast %jit3A_75 : i32 to vector<16xi32>
    %max3A_78 = arith.maxsi %max3A_77, %add3A_74 : vector<16xi32>
    %min3A_79 = vector.broadcast %jit3A_76 : i32 to vector<16xi32>
    %min3A_80 = arith.minsi %min3A_79, %max3A_78 : vector<16xi32>
    %swap3A_81 = arith.constant 0 : i32
    %swap3A_82 = arith.index_cast %swap3A_81 : i32 to index
    %swap3A_83 = arith.constant 48 : index
    %swap3A_84 = tpu.vector_load %arg11[%swap3A_82, %swap3A_83] {strides = array<i32>} : memref<2x128xi32, #tpu.memory_space<vmem>>, vector<16xi32>,
    tpu.vector_store %arg11[%swap3A_82, %swap3A_83], %min3A_80 {strides = array<i32>} : memref<2x128xi32, #tpu.memory_space<vmem>>, vector<16xi32>,
    %get3A_85 = arith.constant 64 : index
    %get3A_86 = tpu.vector_load %arg9[%get3A_85] {strides = array<i32>} : memref<256xi32, #tpu.memory_space<vmem>>, vector<16xi32>,
    %jit3A_87 = arith.constant 0 : i32
    %jit3A_88 = arith.constant 15 : i32
    %max3A_89 = vector.broadcast %jit3A_87 : i32 to vector<16xi32>
    %max3A_90 = arith.maxsi %max3A_89, %get3A_86 : vector<16xi32>
    %min3A_91 = vector.broadcast %jit3A_88 : i32 to vector<16xi32>
    %min3A_92 = arith.minsi %min3A_91, %max3A_90 : vector<16xi32>
    %get3A_93 = arith.constant 64 : index
    %get3A_94 = tpu.vector_load %arg10[%get3A_93] {strides = array<i32>} : memref<256xi32, #tpu.memory_space<vmem>>, vector<16xi32>,
    %gather3A_95 = tpu.vector_load_idx %arg8[%min3A_92] : memref<16xi32, #tpu.memory_space<vmem>>[vector<16xi32>], vector<16xi32>,
    %add3A_96 = arith.addi %gather3A_95, %get3A_94 : vector<16xi32>
    %jit3A_97 = arith.constant 0 : i32
    %jit3A_98 = arith.constant 8191 : i32
    %max3A_99 = vector.broadcast %jit3A_97 : i32 to vector<16xi32>
    %max3A_100 = arith.maxsi %max3A_99, %add3A_96 : vector<16xi32>
    %min3A_101 = vector.broadcast %jit3A_98 : i32 to vector<16xi32>
    %min3A_102 = arith.minsi %min3A_101, %max3A_100 : vector<16xi32>
    %swap3A_103 = arith.constant 0 : i32
    %swap3A_104 = arith.index_cast %swap3A_103 : i32 to index
    %swap3A_105 = arith.constant 64 : index
    %swap3A_106 = tpu.vector_load %arg11[%swap3A_104, %swap3A_105] {strides = array<i32>} : memref<2x128xi32, #tpu.memory_space<vmem>>, vector<16xi32>,
    tpu.vector_store %arg11[%swap3A_104, %swap3A_105], %min3A_102 {strides = array<i32>} : memref<2x128xi32, #tpu.memory_space<vmem>>, vector<16xi32>,
    %get3A_107 = arith.constant 80 : index
    %get3A_108 = tpu.vector_load %arg9[%get3A_107] {strides = array<i32>} : memref<256xi32, #tpu.memory_space<vmem>>, vector<16xi32>,
    %jit3A_109 = arith.constant 0 : i32
    %jit3A_110 = arith.constant 15 : i32
    %max3A_111 = vector.broadcast %jit3A_109 : i32 to vector<16xi32>
    %max3A_112 = arith.maxsi %max3A_111, %get3A_108 : vector<16xi32>
    %min3A_113 = vector.broadcast %jit3A_110 : i32 to vector<16xi32>
    %min3A_114 = arith.minsi %min3A_113, %max3A_112 : vector<16xi32>
    %get3A_115 = arith.constant 80 : index
    %get3A_116 = tpu.vector_load %arg10[%get3A_115] {strides = array<i32>} : memref<256xi32, #tpu.memory_space<vmem>>, vector<16xi32>,
    %gather3A_117 = tpu.vector_load_idx %arg8[%min3A_114] : memref<16xi32, #tpu.memory_space<vmem>>[vector<16xi32>], vector<16xi32>,
    %add3A_118 = arith.addi %gather3A_117, %get3A_116 : vector<16xi32>
    %jit3A_119 = arith.constant 0 : i32
    %jit3A_120 = arith.constant 8191 : i32
    %max3A_121 = vector.broadcast %jit3A_119 : i32 to vector<16xi32>
    %max3A_122 = arith.maxsi %max3A_121, %add3A_118 : vector<16xi32>
    %min3A_123 = vector.broadcast %jit3A_120 : i32 to vector<16xi32>
    %min3A_124 = arith.minsi %min3A_123, %max3A_122 : vector<16xi32>
    %swap3A_125 = arith.constant 0 : i32
    %swap3A_126 = arith.index_cast %swap3A_125 : i32 to index
    %swap3A_127 = arith.constant 80 : index
    %swap3A_128 = tpu.vector_load %arg11[%swap3A_126, %swap3A_127] {strides = array<i32>} : memref<2x128xi32, #tpu.memory_space<vmem>>, vector<16xi32>,
    tpu.vector_store %arg11[%swap3A_126, %swap3A_127], %min3A_124 {strides = array<i32>} : memref<2x128xi32, #tpu.memory_space<vmem>>, vector<16xi32>,
    %get3A_129 = arith.constant 96 : index
    %get3A_130 = tpu.vector_load %arg9[%get3A_129] {strides = array<i32>} : memref<256xi32, #tpu.memory_space<vmem>>, vector<16xi32>,
    %jit3A_131 = arith.constant 0 : i32
    %jit3A_132 = arith.constant 15 : i32
    %max3A_133 = vector.broadcast %jit3A_131 : i32 to vector<16xi32>
    %max3A_134 = arith.maxsi %max3A_133, %get3A_130 : vector<16xi32>
    %min3A_135 = vector.broadcast %jit3A_132 : i32 to vector<16xi32>
    %min3A_136 = arith.minsi %min3A_135, %max3A_134 : vector<16xi32>
    %get3A_137 = arith.constant 96 : index
    %get3A_138 = tpu.vector_load %arg10[%get3A_137] {strides = array<i32>} : memref<256xi32, #tpu.memory_space<vmem>>, vector<16xi32>,
    %gather3A_139 = tpu.vector_load_idx %arg8[%min3A_136] : memref<16xi32, #tpu.memory_space<vmem>>[vector<16xi32>], vector<16xi32>,
    %add3A_140 = arith.addi %gather3A_139, %get3A_138 : vector<16xi32>
    %jit3A_141 = arith.constant 0 : i32
    %jit3A_142 = arith.constant 8191 : i32
    %max3A_143 = vector.broadcast %jit3A_141 : i32 to vector<16xi32>
    %max3A_144 = arith.maxsi %max3A_143, %add3A_140 : vector<16xi32>
    %min3A_145 = vector.broadcast %jit3A_142 : i32 to vector<16xi32>
    %min3A_146 = arith.minsi %min3A_145, %max3A_144 : vector<16xi32>
    %swap3A_147 = arith.constant 0 : i32
    %swap3A_148 = arith.index_cast %swap3A_147 : i32 to index
    %swap3A_149 = arith.constant 96 : index
    %swap3A_150 = tpu.vector_load %arg11[%swap3A_148, %swap3A_149] {strides = array<i32>} : memref<2x128xi32, #tpu.memory_space<vmem>>, vector<16xi32>,
    tpu.vector_store %arg11[%swap3A_148, %swap3A_149], %min3A_146 {strides = array<i32>} : memref<2x128xi32, #tpu.memory_space<vmem>>, vector<16xi32>,
    %get3A_151 = arith.constant 112 : index
    %get3A_152 = tpu.vector_load %arg9[%get3A_151] {strides = array<i32>} : memref<256xi32, #tpu.memory_space<vmem>>, vector<16xi32>,
    %jit3A_153 = arith.constant 0 : i32
    %jit3A_154 = arith.constant 15 : i32
    %max3A_155 = vector.broadcast %jit3A_153 : i32 to vector<16xi32>
    %max3A_156 = arith.maxsi %max3A_155, %get3A_152 : vector<16xi32>
    %min3A_157 = vector.broadcast %jit3A_154 : i32 to vector<16xi32>
    %min3A_158 = arith.minsi %min3A_157, %max3A_156 : vector<16xi32>
    %get3A_159 = arith.constant 112 : index
    %get3A_160 = tpu.vector_load %arg10[%get3A_159] {strides = array<i32>} : memref<256xi32, #tpu.memory_space<vmem>>, vector<16xi32>,
    %gather3A_161 = tpu.vector_load_idx %arg8[%min3A_158] : memref<16xi32, #tpu.memory_space<vmem>>[vector<16xi32>], vector<16xi32>,
    %add3A_162 = arith.addi %gather3A_161, %get3A_160 : vector<16xi32>
    %jit3A_163 = arith.constant 0 : i32
    %jit3A_164 = arith.constant 8191 : i32
    %max3A_165 = vector.broadcast %jit3A_163 : i32 to vector<16xi32>
    %max3A_166 = arith.maxsi %max3A_165, %add3A_162 : vector<16xi32>
    %min3A_167 = vector.broadcast %jit3A_164 : i32 to vector<16xi32>
    %min3A_168 = arith.minsi %min3A_167, %max3A_166 : vector<16xi32>
    %swap3A_169 = arith.constant 0 : i32
    %swap3A_170 = arith.index_cast %swap3A_169 : i32 to index
    %swap3A_171 = arith.constant 112 : index
    %swap3A_172 = tpu.vector_load %arg11[%swap3A_170, %swap3A_171] {strides = array<i32>} : memref<2x128xi32, #tpu.memory_space<vmem>>, vector<16xi32>,
    tpu.vector_store %arg11[%swap3A_170, %swap3A_171], %min3A_168 {strides = array<i32>} : memref<2x128xi32, #tpu.memory_space<vmem>>, vector<16xi32>,
    %get3A_173 = arith.constant 128 : index
    %get3A_174 = tpu.vector_load %arg9[%get3A_173] {strides = array<i32>} : memref<256xi32, #tpu.memory_space<vmem>>, vector<16xi32>,
    %jit3A_175 = arith.constant 0 : i32
    %jit3A_176 = arith.constant 15 : i32
    %max3A_177 = vector.broadcast %jit3A_175 : i32 to vector<16xi32>
    %max3A_178 = arith.maxsi %max3A_177, %get3A_174 : vector<16xi32>
    %min3A_179 = vector.broadcast %jit3A_176 : i32 to vector<16xi32>
    %min3A_180 = arith.minsi %min3A_179, %max3A_178 : vector<16xi32>
    %get3A_181 = arith.constant 128 : index
    %get3A_182 = tpu.vector_load %arg10[%get3A_181] {strides = array<i32>} : memref<256xi32, #tpu.memory_space<vmem>>, vector<16xi32>,
    %gather3A_183 = tpu.vector_load_idx %arg8[%min3A_180] : memref<16xi32, #tpu.memory_space<vmem>>[vector<16xi32>], vector<16xi32>,
    %add3A_184 = arith.addi %gather3A_183, %get3A_182 : vector<16xi32>
    %jit3A_185 = arith.constant 0 : i32
    %jit3A_186 = arith.constant 8191 : i32
    %max3A_187 = vector.broadcast %jit3A_185 : i32 to vector<16xi32>
    %max3A_188 = arith.maxsi %max3A_187, %add3A_184 : vector<16xi32>
    %min3A_189 = vector.broadcast %jit3A_186 : i32 to vector<16xi32>
    %min3A_190 = arith.minsi %min3A_189, %max3A_188 : vector<16xi32>
    %swap3A_191 = arith.constant 1 : i32
    %swap3A_192 = arith.index_cast %swap3A_191 : i32 to index
    %swap3A_193 = arith.constant 0 : index
    %swap3A_194 = tpu.vector_load %arg11[%swap3A_192, %swap3A_193] {strides = array<i32>} : memref<2x128xi32, #tpu.memory_space<vmem>>, vector<16xi32>,
    tpu.vector_store %arg11[%swap3A_192, %swap3A_193], %min3A_190 {strides = array<i32>} : memref<2x128xi32, #tpu.memory_space<vmem>>, vector<16xi32>,
    %get3A_195 = arith.constant 144 : index
    %get3A_196 = tpu.vector_load %arg9[%get3A_195] {strides = array<i32>} : memref<256xi32, #tpu.memory_space<vmem>>, vector<16xi32>,
    %jit3A_197 = arith.constant 0 : i32
    %jit3A_198 = arith.constant 15 : i32
    %max3A_199 = vector.broadcast %jit3A_197 : i32 to vector<16xi32>
    %max3A_200 = arith.maxsi %max3A_199, %get3A_196 : vector<16xi32>
    %min3A_201 = vector.broadcast %jit3A_198 : i32 to vector<16xi32>
    %min3A_202 = arith.minsi %min3A_201, %max3A_200 : vector<16xi32>
    %get3A_203 = arith.constant 144 : index
    %get3A_204 = tpu.vector_load %arg10[%get3A_203] {strides = array<i32>} : memref<256xi32, #tpu.memory_space<vmem>>, vector<16xi32>,
    %gather3A_205 = tpu.vector_load_idx %arg8[%min3A_202] : memref<16xi32, #tpu.memory_space<vmem>>[vector<16xi32>], vector<16xi32>,
    %add3A_206 = arith.addi %gather3A_205, %get3A_204 : vector<16xi32>
    %jit3A_207 = arith.constant 0 : i32
    %jit3A_208 = arith.constant 8191 : i32
    %max3A_209 = vector.broadcast %jit3A_207 : i32 to vector<16xi32>
    %max3A_210 = arith.maxsi %max3A_209, %add3A_206 : vector<16xi32>
    %min3A_211 = vector.broadcast %jit3A_208 : i32 to vector<16xi32>
    %min3A_212 = arith.minsi %min3A_211, %max3A_210 : vector<16xi32>
    %swap3A_213 = arith.constant 1 : i32
    %swap3A_214 = arith.index_cast %swap3A_213 : i32 to index
    %swap3A_215 = arith.constant 16 : index
    %swap3A_216 = tpu.vector_load %arg11[%swap3A_214, %swap3A_215] {strides = array<i32>} : memref<2x128xi32, #tpu.memory_space<vmem>>, vector<16xi32>,
    tpu.vector_store %arg11[%swap3A_214, %swap3A_215], %min3A_212 {strides = array<i32>} : memref<2x128xi32, #tpu.memory_space<vmem>>, vector<16xi32>,
    %get3A_217 = arith.constant 160 : index
    %get3A_218 = tpu.vector_load %arg9[%get3A_217] {strides = array<i32>} : memref<256xi32, #tpu.memory_space<vmem>>, vector<16xi32>,
    %jit3A_219 = arith.constant 0 : i32
    %jit3A_220 = arith.constant 15 : i32
    %max3A_221 = vector.broadcast %jit3A_219 : i32 to vector<16xi32>
    %max3A_222 = arith.maxsi %max3A_221, %get3A_218 : vector<16xi32>
    %min3A_223 = vector.broadcast %jit3A_220 : i32 to vector<16xi32>
    %min3A_224 = arith.minsi %min3A_223, %max3A_222 : vector<16xi32>
    %get3A_225 = arith.constant 160 : index
    %get3A_226 = tpu.vector_load %arg10[%get3A_225] {strides = array<i32>} : memref<256xi32, #tpu.memory_space<vmem>>, vector<16xi32>,
    %gather3A_227 = tpu.vector_load_idx %arg8[%min3A_224] : memref<16xi32, #tpu.memory_space<vmem>>[vector<16xi32>], vector<16xi32>,
    %add3A_228 = arith.addi %gather3A_227, %get3A_226 : vector<16xi32>
    %jit3A_229 = arith.constant 0 : i32
    %jit3A_230 = arith.constant 8191 : i32
    %max3A_231 = vector.broadcast %jit3A_229 : i32 to vector<16xi32>
    %max3A_232 = arith.maxsi %max3A_231, %add3A_228 : vector<16xi32>
    %min3A_233 = vector.broadcast %jit3A_230 : i32 to vector<16xi32>
    %min3A_234 = arith.minsi %min3A_233, %max3A_232 : vector<16xi32>
    %swap3A_235 = arith.constant 1 : i32
    %swap3A_236 = arith.index_cast %swap3A_235 : i32 to index
    %swap3A_237 = arith.constant 32 : index
    %swap3A_238 = tpu.vector_load %arg11[%swap3A_236, %swap3A_237] {strides = array<i32>} : memref<2x128xi32, #tpu.memory_space<vmem>>, vector<16xi32>,
    tpu.vector_store %arg11[%swap3A_236, %swap3A_237], %min3A_234 {strides = array<i32>} : memref<2x128xi32, #tpu.memory_space<vmem>>, vector<16xi32>,
    %get3A_239 = arith.constant 176 : index
    %get3A_240 = tpu.vector_load %arg9[%get3A_239] {strides = array<i32>} : memref<256xi32, #tpu.memory_space<vmem>>, vector<16xi32>,
    %jit3A_241 = arith.constant 0 : i32
    %jit3A_242 = arith.constant 15 : i32
    %max3A_243 = vector.broadcast %jit3A_241 : i32 to vector<16xi32>
    %max3A_244 = arith.maxsi %max3A_243, %get3A_240 : vector<16xi32>
    %min3A_245 = vector.broadcast %jit3A_242 : i32 to vector<16xi32>
    %min3A_246 = arith.minsi %min3A_245, %max3A_244 : vector<16xi32>
    %get3A_247 = arith.constant 176 : index
    %get3A_248 = tpu.vector_load %arg10[%get3A_247] {strides = array<i32>} : memref<256xi32, #tpu.memory_space<vmem>>, vector<16xi32>,
    %gather3A_249 = tpu.vector_load_idx %arg8[%min3A_246] : memref<16xi32, #tpu.memory_space<vmem>>[vector<16xi32>], vector<16xi32>,
    %add3A_250 = arith.addi %gather3A_249, %get3A_248 : vector<16xi32>
    %jit3A_251 = arith.constant 0 : i32
    %jit3A_252 = arith.constant 8191 : i32
    %max3A_253 = vector.broadcast %jit3A_251 : i32 to vector<16xi32>
    %max3A_254 = arith.maxsi %max3A_253, %add3A_250 : vector<16xi32>
    %min3A_255 = vector.broadcast %jit3A_252 : i32 to vector<16xi32>
    %min3A_256 = arith.minsi %min3A_255, %max3A_254 : vector<16xi32>
    %swap3A_257 = arith.constant 1 : i32
    %swap3A_258 = arith.index_cast %swap3A_257 : i32 to index
    %swap3A_259 = arith.constant 48 : index
    %swap3A_260 = tpu.vector_load %arg11[%swap3A_258, %swap3A_259] {strides = array<i32>} : memref<2x128xi32, #tpu.memory_space<vmem>>, vector<16xi32>,
    tpu.vector_store %arg11[%swap3A_258, %swap3A_259], %min3A_256 {strides = array<i32>} : memref<2x128xi32, #tpu.memory_space<vmem>>, vector<16xi32>,
    %get3A_261 = arith.constant 192 : index
    %get3A_262 = tpu.vector_load %arg9[%get3A_261] {strides = array<i32>} : memref<256xi32, #tpu.memory_space<vmem>>, vector<16xi32>,
    %jit3A_263 = arith.constant 0 : i32
    %jit3A_264 = arith.constant 15 : i32
    %max3A_265 = vector.broadcast %jit3A_263 : i32 to vector<16xi32>
    %max3A_266 = arith.maxsi %max3A_265, %get3A_262 : vector<16xi32>
    %min3A_267 = vector.broadcast %jit3A_264 : i32 to vector<16xi32>
    %min3A_268 = arith.minsi %min3A_267, %max3A_266 : vector<16xi32>
    %get3A_269 = arith.constant 192 : index
    %get3A_270 = tpu.vector_load %arg10[%get3A_269] {strides = array<i32>} : memref<256xi32, #tpu.memory_space<vmem>>, vector<16xi32>,
    %gather3A_271 = tpu.vector_load_idx %arg8[%min3A_268] : memref<16xi32, #tpu.memory_space<vmem>>[vector<16xi32>], vector<16xi32>,
    %add3A_272 = arith.addi %gather3A_271, %get3A_270 : vector<16xi32>
    %jit3A_273 = arith.constant 0 : i32
    %jit3A_274 = arith.constant 8191 : i32
    %max3A_275 = vector.broadcast %jit3A_273 : i32 to vector<16xi32>
    %max3A_276 = arith.maxsi %max3A_275, %add3A_272 : vector<16xi32>
    %min3A_277 = vector.broadcast %jit3A_274 : i32 to vector<16xi32>
    %min3A_278 = arith.minsi %min3A_277, %max3A_276 : vector<16xi32>
    %swap3A_279 = arith.constant 1 : i32
    %swap3A_280 = arith.index_cast %swap3A_279 : i32 to index
    %swap3A_281 = arith.constant 64 : index
    %swap3A_282 = tpu.vector_load %arg11[%swap3A_280, %swap3A_281] {strides = array<i32>} : memref<2x128xi32, #tpu.memory_space<vmem>>, vector<16xi32>,
    tpu.vector_store %arg11[%swap3A_280, %swap3A_281], %min3A_278 {strides = array<i32>} : memref<2x128xi32, #tpu.memory_space<vmem>>, vector<16xi32>,
    %get3A_283 = arith.constant 208 : index
    %get3A_284 = tpu.vector_load %arg9[%get3A_283] {strides = array<i32>} : memref<256xi32, #tpu.memory_space<vmem>>, vector<16xi32>,
    %jit3A_285 = arith.constant 0 : i32
    %jit3A_286 = arith.constant 15 : i32
    %max3A_287 = vector.broadcast %jit3A_285 : i32 to vector<16xi32>
    %max3A_288 = arith.maxsi %max3A_287, %get3A_284 : vector<16xi32>
    %min3A_289 = vector.broadcast %jit3A_286 : i32 to vector<16xi32>
    %min3A_290 = arith.minsi %min3A_289, %max3A_288 : vector<16xi32>
    %get3A_291 = arith.constant 208 : index
    %get3A_292 = tpu.vector_load %arg10[%get3A_291] {strides = array<i32>} : memref<256xi32, #tpu.memory_space<vmem>>, vector<16xi32>,
    %gather3A_293 = tpu.vector_load_idx %arg8[%min3A_290] : memref<16xi32, #tpu.memory_space<vmem>>[vector<16xi32>], vector<16xi32>,
    %add3A_294 = arith.addi %gather3A_293, %get3A_292 : vector<16xi32>
    %jit3A_295 = arith.constant 0 : i32
    %jit3A_296 = arith.constant 8191 : i32
    %max3A_297 = vector.broadcast %jit3A_295 : i32 to vector<16xi32>
    %max3A_298 = arith.maxsi %max3A_297, %add3A_294 : vector<16xi32>
    %min3A_299 = vector.broadcast %jit3A_296 : i32 to vector<16xi32>
    %min3A_300 = arith.minsi %min3A_299, %max3A_298 : vector<16xi32>
    %swap3A_301 = arith.constant 1 : i32
    %swap3A_302 = arith.index_cast %swap3A_301 : i32 to index
    %swap3A_303 = arith.constant 80 : index
    %swap3A_304 = tpu.vector_load %arg11[%swap3A_302, %swap3A_303] {strides = array<i32>} : memref<2x128xi32, #tpu.memory_space<vmem>>, vector<16xi32>,
    tpu.vector_store %arg11[%swap3A_302, %swap3A_303], %min3A_300 {strides = array<i32>} : memref<2x128xi32, #tpu.memory_space<vmem>>, vector<16xi32>,
    %get3A_305 = arith.constant 224 : index
    %get3A_306 = tpu.vector_load %arg9[%get3A_305] {strides = array<i32>} : memref<256xi32, #tpu.memory_space<vmem>>, vector<16xi32>,
    %jit3A_307 = arith.constant 0 : i32
    %jit3A_308 = arith.constant 15 : i32
    %max3A_309 = vector.broadcast %jit3A_307 : i32 to vector<16xi32>
    %max3A_310 = arith.maxsi %max3A_309, %get3A_306 : vector<16xi32>
    %min3A_311 = vector.broadcast %jit3A_308 : i32 to vector<16xi32>
    %min3A_312 = arith.minsi %min3A_311, %max3A_310 : vector<16xi32>
    %get3A_313 = arith.constant 224 : index
    %get3A_314 = tpu.vector_load %arg10[%get3A_313] {strides = array<i32>} : memref<256xi32, #tpu.memory_space<vmem>>, vector<16xi32>,
    %gather3A_315 = tpu.vector_load_idx %arg8[%min3A_312] : memref<16xi32, #tpu.memory_space<vmem>>[vector<16xi32>], vector<16xi32>,
    %add3A_316 = arith.addi %gather3A_315, %get3A_314 : vector<16xi32>
    %jit3A_317 = arith.constant 0 : i32
    %jit3A_318 = arith.constant 8191 : i32
    %max3A_319 = vector.broadcast %jit3A_317 : i32 to vector<16xi32>
    %max3A_320 = arith.maxsi %max3A_319, %add3A_316 : vector<16xi32>
    %min3A_321 = vector.broadcast %jit3A_318 : i32 to vector<16xi32>
    %min3A_322 = arith.minsi %min3A_321, %max3A_320 : vector<16xi32>
    %swap3A_323 = arith.constant 1 : i32
    %swap3A_324 = arith.index_cast %swap3A_323 : i32 to index
    %swap3A_325 = arith.constant 96 : index
    %swap3A_326 = tpu.vector_load %arg11[%swap3A_324, %swap3A_325] {strides = array<i32>} : memref<2x128xi32, #tpu.memory_space<vmem>>, vector<16xi32>,
    tpu.vector_store %arg11[%swap3A_324, %swap3A_325], %min3A_322 {strides = array<i32>} : memref<2x128xi32, #tpu.memory_space<vmem>>, vector<16xi32>,
    %get3A_327 = arith.constant 240 : index
    %get3A_328 = tpu.vector_load %arg9[%get3A_327] {strides = array<i32>} : memref<256xi32, #tpu.memory_space<vmem>>, vector<16xi32>,
    %jit3A_329 = arith.constant 0 : i32
    %jit3A_330 = arith.constant 15 : i32
    %max3A_331 = vector.broadcast %jit3A_329 : i32 to vector<16xi32>
    %max3A_332 = arith.maxsi %max3A_331, %get3A_328 : vector<16xi32>
    %min3A_333 = vector.broadcast %jit3A_330 : i32 to vector<16xi32>
    %min3A_334 = arith.minsi %min3A_333, %max3A_332 : vector<16xi32>
    %get3A_335 = arith.constant 240 : index
    %get3A_336 = tpu.vector_load %arg10[%get3A_335] {strides = array<i32>} : memref<256xi32, #tpu.memory_space<vmem>>, vector<16xi32>,
    %gather3A_337 = tpu.vector_load_idx %arg8[%min3A_334] : memref<16xi32, #tpu.memory_space<vmem>>[vector<16xi32>], vector<16xi32>,
    %add3A_338 = arith.addi %gather3A_337, %get3A_336 : vector<16xi32>
    %jit3A_339 = arith.constant 0 : i32
    %jit3A_340 = arith.constant 8191 : i32
    %max3A_341 = vector.broadcast %jit3A_339 : i32 to vector<16xi32>
    %max3A_342 = arith.maxsi %max3A_341, %add3A_338 : vector<16xi32>
    %min3A_343 = vector.broadcast %jit3A_340 : i32 to vector<16xi32>
    %min3A_344 = arith.minsi %min3A_343, %max3A_342 : vector<16xi32>
    %swap3A_345 = arith.constant 1 : i32
    %swap3A_346 = arith.index_cast %swap3A_345 : i32 to index
    %swap3A_347 = arith.constant 112 : index
    %swap3A_348 = tpu.vector_load %arg11[%swap3A_346, %swap3A_347] {strides = array<i32>} : memref<2x128xi32, #tpu.memory_space<vmem>>, vector<16xi32>,
    tpu.vector_store %arg11[%swap3A_346, %swap3A_347], %min3A_344 {strides = array<i32>} : memref<2x128xi32, #tpu.memory_space<vmem>>, vector<16xi32>,
    %mul3A_349 = arith.constant 2 : i32
    %mul3A_350 = arith.muli %mul3A_349, %add3A : i32
    "tpu.region"() ({
      %run_scoped3A = tpu.sem_alloc : memref<!tpu.dma_semaphore, #tpu.memory_space<semaphore_mem>>
      %dma_start3A_389 = arith.constant 0 : i32
      %dma_start3A_390 = tpu.memref_slice %arg6[%mul3A_350, %dma_start3A_389] : memref<64x128xi32, #tpu.memory_space<hbm>> -> memref<2x128xi32, #tpu.memory_space<hbm>>
      %dma_start3A_391 = arith.constant 0 : i32
      %dma_start3A_392 = tpu.memref_slice %arg6[%mul3A_350, %dma_start3A_391] : memref<64x128xi32, #tpu.memory_space<hbm>> -> memref<2x128xi32, #tpu.memory_space<hbm>>
      tpu.enqueue_dma source(%arg11 : memref<2x128xi32, #tpu.memory_space<vmem>>) target(%dma_start3A_392 : memref<2x128xi32, #tpu.memory_space<hbm>>) target_semaphore(%run_scoped3A : memref<!tpu.dma_semaphore, #tpu.memory_space<semaphore_mem>>)
      %dma_wait3A_393 = arith.constant 0 : i32
      %dma_wait3A_394 = tpu.memref_slice %arg6[%mul3A_350, %dma_wait3A_393] : memref<64x128xi32, #tpu.memory_space<hbm>> -> memref<2x128xi32, #tpu.memory_space<hbm>>
      %dma_wait3A_395 = arith.constant 0 : i32
      %dma_wait3A_396 = tpu.memref_slice %arg6[%mul3A_350, %dma_wait3A_395] : memref<64x128xi32, #tpu.memory_space<hbm>> -> memref<2x128xi32, #tpu.memory_space<hbm>>
      tpu.wait_dma2 semaphore(%run_scoped3A : memref<!tpu.dma_semaphore, #tpu.memory_space<semaphore_mem>>) src(%arg11 : memref<2x128xi32, #tpu.memory_space<vmem>>) dst(%dma_wait3A_396 : memref<2x128xi32, #tpu.memory_space<hbm>>)
      tpu.yield
    }) : () -> ()
    %dma_start3A = arith.constant 0 : i32
    %dma_start3A_351 = arith.constant 0 : i32
    %dma_start3A_352 = arith.constant 0 : i32
    %dma_start3A_353 = tpu.memref_slice %arg12[%dma_start3A_351, %dma_start3A_352] : memref<256x384xf32, #tpu.memory_space<vmem>> -> memref<128x384xf32, #tpu.memory_space<vmem>>
    %dma_start3A_354 = arith.constant 0 : i32
    %dma_start3A_355 = tpu.memref_slice %arg11[%dma_start3A, %dma_start3A_354] : memref<2x128xi32, #tpu.memory_space<vmem>> -> memref<1x128xi32, #tpu.memory_space<vmem>>
    %dma_start3A_356 = tpu.memref_squeeze %dma_start3A_355 : memref<1x128xi32, #tpu.memory_space<vmem>> -> memref<128xi32, #tpu.memory_space<vmem>>
    %dma_start3A_357 = arith.constant 0 : i32
    %dma_start3A_358 = arith.constant 0 : i32
    %dma_start3A_359 = tpu.memref_slice %arg7[%dma_start3A_357, %dma_start3A_358] : memref<8192x384xf32, #tpu.memory_space<hbm>> -> memref<8192x384xf32, #tpu.memory_space<hbm>>
    tpu.enqueue_indirect_dma source(%dma_start3A_353 : memref<128x384xf32, #tpu.memory_space<vmem>>) target(%dma_start3A_359 : memref<8192x384xf32, #tpu.memory_space<hbm>>) offsets(%dma_start3A_356 : memref<128xi32, #tpu.memory_space<vmem>>) semaphore(%arg13 : memref<!tpu.dma_semaphore, #tpu.memory_space<semaphore_mem>>)
    %dma_wait3A = arith.constant 0 : i32
    %dma_wait3A_360 = arith.constant 0 : i32
    %dma_wait3A_361 = arith.constant 0 : i32
    %dma_wait3A_362 = tpu.memref_slice %arg12[%dma_wait3A_360, %dma_wait3A_361] : memref<256x384xf32, #tpu.memory_space<vmem>> -> memref<128x384xf32, #tpu.memory_space<vmem>>
    %dma_wait3A_363 = arith.constant 0 : i32
    %dma_wait3A_364 = tpu.memref_slice %arg11[%dma_wait3A, %dma_wait3A_363] : memref<2x128xi32, #tpu.memory_space<vmem>> -> memref<1x128xi32, #tpu.memory_space<vmem>>
    %dma_wait3A_365 = tpu.memref_squeeze %dma_wait3A_364 : memref<1x128xi32, #tpu.memory_space<vmem>> -> memref<128xi32, #tpu.memory_space<vmem>>
    %dma_wait3A_366 = arith.constant 0 : i32
    %dma_wait3A_367 = arith.constant 0 : i32
    %dma_wait3A_368 = tpu.memref_slice %arg7[%dma_wait3A_366, %dma_wait3A_367] : memref<8192x384xf32, #tpu.memory_space<hbm>> -> memref<8192x384xf32, #tpu.memory_space<hbm>>
    tpu.wait_indirect_dma semaphore(%arg13 : memref<!tpu.dma_semaphore, #tpu.memory_space<semaphore_mem>>) src(%dma_wait3A_362 : memref<128x384xf32, #tpu.memory_space<vmem>>) dst(%dma_wait3A_368 : memref<8192x384xf32, #tpu.memory_space<hbm>>)
    %dma_start3A_369 = arith.constant 1 : i32
    %dma_start3A_370 = arith.constant 128 : i32
    %dma_start3A_371 = arith.constant 0 : i32
    %dma_start3A_372 = tpu.memref_slice %arg12[%dma_start3A_370, %dma_start3A_371] : memref<256x384xf32, #tpu.memory_space<vmem>> -> memref<128x384xf32, #tpu.memory_space<vmem>>
    %dma_start3A_373 = arith.constant 0 : i32
    %dma_start3A_374 = tpu.memref_slice %arg11[%dma_start3A_369, %dma_start3A_373] : memref<2x128xi32, #tpu.memory_space<vmem>> -> memref<1x128xi32, #tpu.memory_space<vmem>>
    %dma_start3A_375 = tpu.memref_squeeze %dma_start3A_374 : memref<1x128xi32, #tpu.memory_space<vmem>> -> memref<128xi32, #tpu.memory_space<vmem>>
    %dma_start3A_376 = arith.constant 0 : i32
    %dma_start3A_377 = arith.constant 0 : i32
    %dma_start3A_378 = tpu.memref_slice %arg7[%dma_start3A_376, %dma_start3A_377] : memref<8192x384xf32, #tpu.memory_space<hbm>> -> memref<8192x384xf32, #tpu.memory_space<hbm>>
    tpu.enqueue_indirect_dma source(%dma_start3A_372 : memref<128x384xf32, #tpu.memory_space<vmem>>) target(%dma_start3A_378 : memref<8192x384xf32, #tpu.memory_space<hbm>>) offsets(%dma_start3A_375 : memref<128xi32, #tpu.memory_space<vmem>>) semaphore(%arg13 : memref<!tpu.dma_semaphore, #tpu.memory_space<semaphore_mem>>)
    %dma_wait3A_379 = arith.constant 1 : i32
    %dma_wait3A_380 = arith.constant 128 : i32
    %dma_wait3A_381 = arith.constant 0 : i32
    %dma_wait3A_382 = tpu.memref_slice %arg12[%dma_wait3A_380, %dma_wait3A_381] : memref<256x384xf32, #tpu.memory_space<vmem>> -> memref<128x384xf32, #tpu.memory_space<vmem>>
    %dma_wait3A_383 = arith.constant 0 : i32
    %dma_wait3A_384 = tpu.memref_slice %arg11[%dma_wait3A_379, %dma_wait3A_383] : memref<2x128xi32, #tpu.memory_space<vmem>> -> memref<1x128xi32, #tpu.memory_space<vmem>>
    %dma_wait3A_385 = tpu.memref_squeeze %dma_wait3A_384 : memref<1x128xi32, #tpu.memory_space<vmem>> -> memref<128xi32, #tpu.memory_space<vmem>>
    %dma_wait3A_386 = arith.constant 0 : i32
    %dma_wait3A_387 = arith.constant 0 : i32
    %dma_wait3A_388 = tpu.memref_slice %arg7[%dma_wait3A_386, %dma_wait3A_387] : memref<8192x384xf32, #tpu.memory_space<hbm>> -> memref<8192x384xf32, #tpu.memory_space<hbm>>
    tpu.wait_indirect_dma semaphore(%arg13 : memref<!tpu.dma_semaphore, #tpu.memory_space<semaphore_mem>>) src(%dma_wait3A_382 : memref<128x384xf32, #tpu.memory_space<vmem>>) dst(%dma_wait3A_388 : memref<8192x384xf32, #tpu.memory_space<hbm>>)
    return
  }
}

module attributes {stable_mosaic.version = 14 : i64} {
  func.func @_router_kernel(%arg0: i32, %arg1: memref<512x256xf32, #tpu.memory_space<vmem>>, %arg2: memref<256x8xf32, #tpu.memory_space<vmem>>, %arg3: memref<512x384xf32, #tpu.memory_space<vmem>>, %arg4: memref<1x1x512xi32, #tpu.memory_space<vmem>>, %arg5: memref<1x1x512xi32, #tpu.memory_space<vmem>>, %arg6: memref<1x16xi32, #tpu.memory_space<vmem>>, %arg7: memref<1x16xi32, #tpu.memory_space<vmem>>, %arg8: memref<1x16xf32, #tpu.memory_space<vmem>>) attributes {dimension_semantics = [#tpu.dimension_semantics<arbitrary>], iteration_bounds = array<i64: 16>, scalar_prefetch = 0 : i64, scratch_operands = 1 : i64, tpu.core_type = #tpu.core_type<tc>, window_params = [{transform_indices = @transform_0, window_bounds = array<i64: 512, 256>}, {pipeline_mode = #tpu.pipeline_mode<synchronous>, transform_indices = @transform_1, window_bounds = array<i64: 256, 8>}, {transform_indices = @transform_2, window_bounds = array<i64: 512, 384>}, {transform_indices = @transform_3, window_bounds = array<i64: 1, 1, 512>}, {transform_indices = @transform_4, window_bounds = array<i64: 1, 1, 512>}, {pipeline_mode = #tpu.pipeline_mode<synchronous>, transform_indices = @transform_5, window_bounds = array<i64: 1, 16>}, {pipeline_mode = #tpu.pipeline_mode<synchronous>, transform_indices = @transform_6, window_bounds = array<i64: 1, 16>}]} {
    %eq3A = arith.constant 0 : i32
    %eq3A_0 = arith.cmpi eq, %arg0, %eq3A : i32
    %convert_element_type3A = arith.extui %eq3A_0 : i1 to i32
    %cond3A = arith.constant 0 : i32
    %cond3A_1 = arith.cmpi ne, %convert_element_type3A, %cond3A : i32
    scf.if %cond3A_1 {
      %broadcast_in_dim3A_92 = arith.constant 0.000000e+00 : f32
      %broadcast_in_dim3A_93 = vector.broadcast %broadcast_in_dim3A_92 : f32 to vector<1x16xf32>
      %swap3A_94 = arith.constant 0 : index
      %swap3A_95 = arith.constant 0 : index
      %swap3A_96 = vector.load %arg8[%swap3A_94, %swap3A_95] : memref<1x16xf32, #tpu.memory_space<vmem>>, vector<1x16xf32>
      tpu.vector_store %arg8[%swap3A_94, %swap3A_95], %broadcast_in_dim3A_93 {strides = array<i32>} : memref<1x16xf32, #tpu.memory_space<vmem>>, vector<1x16xf32>,
    } else {
    }
    %get3A = arith.constant 0 : index
    %get3A_2 = arith.constant 0 : index
    %get3A_3 = vector.load %arg1[%get3A, %get3A_2] : memref<512x256xf32, #tpu.memory_space<vmem>>, vector<512x256xf32>
    %get3A_4 = arith.constant 0 : index
    %get3A_5 = arith.constant 0 : index
    %get3A_6 = vector.load %arg2[%get3A_4, %get3A_5] : memref<256x8xf32, #tpu.memory_space<vmem>>, vector<256x8xf32>
    %dot_general3A = arith.constant dense<0.000000e+00> : vector<512x8xf32>
    %dot_general3A_7 = tpu.matmul %get3A_3, %get3A_6, %dot_general3A {dimension_numbers = #tpu.dot_dimension_numbers<[1], [0], [0], [1], [0, 0, 1, 1], [], []>, transpose_lhs_hint = false} : vector<512x256xf32>, vector<256x8xf32>, vector<512x8xf32> -> vector<512x8xf32>
    %reduce_max3A = arith.constant dense<0xFF800000> : vector<512xf32>
    %reduce_max3A_8 = vector.multi_reduction <maximumf>, %dot_general3A_7, %reduce_max3A [1] : vector<512x8xf32> to vector<512xf32>
    %broadcast_in_dim3A = vector.shape_cast %reduce_max3A_8 : vector<512xf32> to vector<512x1xf32>
    %sub3A = vector.broadcast %broadcast_in_dim3A : vector<512x1xf32> to vector<512x8xf32>
    %sub3A_9 = arith.subf %dot_general3A_7, %sub3A : vector<512x8xf32>
    %exp3A = math.exp %sub3A_9 : vector<512x8xf32>
    %reduce_sum3A = arith.constant dense<0.000000e+00> : vector<512xf32>
    %reduce_sum3A_10 = vector.multi_reduction <add>, %exp3A, %reduce_sum3A [1] : vector<512x8xf32> to vector<512xf32>
    %broadcast_in_dim3A_11 = vector.shape_cast %reduce_sum3A_10 : vector<512xf32> to vector<512x1xf32>
    %div3A = arith.constant 1.000000e+00 : f32
    %div3A_12 = vector.broadcast %div3A : f32 to vector<512x1xf32>
    %div3A_13 = arith.divf %div3A_12, %broadcast_in_dim3A_11 : vector<512x1xf32>
    %argmax3A = tpu.reduce_index %dot_general3A_7 {axis = 1 : i32, kind = #tpu.reduction_kind<arg_max>} : vector<512x8xf32> -> vector<512xi32>
    %iota3A = tpu.iota {dimensions = array<i32: 1>} : vector<512x8xi32>
    %broadcast_in_dim3A_14 = vector.shape_cast %argmax3A : vector<512xi32> to vector<512x1xi32>
    %eq3A_15 = vector.broadcast %broadcast_in_dim3A_14 : vector<512x1xi32> to vector<512x8xi32>
    %eq3A_16 = arith.cmpi eq, %iota3A, %eq3A_15 : vector<512x8xi32>
    %convert_element_type3A_17 = arith.extui %eq3A_16 : vector<512x8xi1> to vector<512x8xi32>
    %convert_element_type3A_18 = arith.sitofp %convert_element_type3A_17 : vector<512x8xi32> to vector<512x8xf32>
    %iota3A_19 = tpu.iota {dimensions = array<i32: 0>} : vector<512x512xi32>
    %iota3A_20 = tpu.iota {dimensions = array<i32: 1>} : vector<512x512xi32>
    %lt3A = arith.cmpi slt, %iota3A_20, %iota3A_19 : vector<512x512xi32>
    %convert_element_type3A_21 = arith.extui %lt3A : vector<512x512xi1> to vector<512x512xi32>
    %convert_element_type3A_22 = arith.sitofp %convert_element_type3A_21 : vector<512x512xi32> to vector<512x512xf32>
    %dot_general3A_23 = arith.constant dense<0.000000e+00> : vector<512x8xf32>
    %dot_general3A_24 = tpu.matmul %convert_element_type3A_22, %convert_element_type3A_18, %dot_general3A_23 {dimension_numbers = #tpu.dot_dimension_numbers<[1], [0], [0], [1], [0, 0, 1, 1], [], []>, transpose_lhs_hint = false} : vector<512x512xf32>, vector<512x8xf32>, vector<512x8xf32> -> vector<512x8xf32>
    %get3A_25 = arith.constant 0 : index
    %get3A_26 = arith.constant 0 : index
    %get3A_27 = vector.load %arg8[%get3A_25, %get3A_26] : memref<1x16xf32, #tpu.memory_space<vmem>>, vector<1x8xf32>
    %add3A = vector.broadcast %get3A_27 : vector<1x8xf32> to vector<512x8xf32>
    %add3A_28 = arith.addf %dot_general3A_24, %add3A : vector<512x8xf32>
    %mul3A = arith.mulf %add3A_28, %convert_element_type3A_18 : vector<512x8xf32>
    %reduce_sum3A_29 = arith.constant dense<0.000000e+00> : vector<512xf32>
    %reduce_sum3A_30 = vector.multi_reduction <add>, %mul3A, %reduce_sum3A_29 [1] : vector<512x8xf32> to vector<512xf32>
    %reduce_sum3A_31 = arith.constant dense<0.000000e+00> : vector<8xf32>
    %reduce_sum3A_32 = vector.multi_reduction <add>, %convert_element_type3A_18, %reduce_sum3A_31 [0] : vector<512x8xf32> to vector<8xf32>
    %broadcast_in_dim3A_33 = vector.shape_cast %reduce_sum3A_32 : vector<8xf32> to vector<1x8xf32>
    %add3A_34 = arith.addf %get3A_27, %broadcast_in_dim3A_33 : vector<1x8xf32>
    %swap3A = arith.constant 0 : index
    %swap3A_35 = arith.constant 0 : index
    %swap3A_36 = vector.load %arg8[%swap3A, %swap3A_35] : memref<1x16xf32, #tpu.memory_space<vmem>>, vector<1x8xf32>
    tpu.vector_store %arg8[%swap3A, %swap3A_35], %add3A_34 {strides = array<i32>} : memref<1x16xf32, #tpu.memory_space<vmem>>, vector<1x8xf32>,
    %broadcast_in_dim3A_37 = arith.constant 0.000000e+00 : f32
    %broadcast_in_dim3A_38 = vector.broadcast %broadcast_in_dim3A_37 : f32 to vector<1x8xf32>
    %concatenate3A = tpu.concatenate %add3A_34, %broadcast_in_dim3A_38 in 1 : vector<1x8xf32>, vector<1x8xf32> -> vector<1x16xf32>
    %convert_element_type3A_39 = arith.fptosi %concatenate3A : vector<1x16xf32> to vector<1x16xi32>
    %swap3A_40 = arith.constant 0 : index
    %swap3A_41 = arith.constant 0 : index
    %swap3A_42 = vector.load %arg6[%swap3A_40, %swap3A_41] : memref<1x16xi32, #tpu.memory_space<vmem>>, vector<1x16xi32>
    tpu.vector_store %arg6[%swap3A_40, %swap3A_41], %convert_element_type3A_39 {strides = array<i32>} : memref<1x16xi32, #tpu.memory_space<vmem>>, vector<1x16xi32>,
    %broadcast_in_dim3A_43 = arith.constant 0 : i32
    %broadcast_in_dim3A_44 = vector.broadcast %broadcast_in_dim3A_43 : i32 to vector<1x1xi32>
    %slice3A = vector.extract_strided_slice %convert_element_type3A_39 {offsets = [0, 0], sizes = [1, 15], strides = [1, 1]} : vector<1x16xi32> to vector<1x15xi32>
    %concatenate3A_45 = tpu.concatenate %broadcast_in_dim3A_44, %slice3A in 1 : vector<1x1xi32>, vector<1x15xi32> -> vector<1x16xi32>
    %broadcast_in_dim3A_46 = arith.constant 0 : i32
    %broadcast_in_dim3A_47 = vector.broadcast %broadcast_in_dim3A_46 : i32 to vector<1x1xi32>
    %slice3A_48 = vector.extract_strided_slice %concatenate3A_45 {offsets = [0, 0], sizes = [1, 15], strides = [1, 1]} : vector<1x16xi32> to vector<1x15xi32>
    %concatenate3A_49 = tpu.concatenate %broadcast_in_dim3A_47, %slice3A_48 in 1 : vector<1x1xi32>, vector<1x15xi32> -> vector<1x16xi32>
    %add3A_50 = arith.addi %concatenate3A_45, %concatenate3A_49 : vector<1x16xi32>
    %broadcast_in_dim3A_51 = arith.constant 0 : i32
    %broadcast_in_dim3A_52 = vector.broadcast %broadcast_in_dim3A_51 : i32 to vector<1x2xi32>
    %slice3A_53 = vector.extract_strided_slice %add3A_50 {offsets = [0, 0], sizes = [1, 14], strides = [1, 1]} : vector<1x16xi32> to vector<1x14xi32>
    %concatenate3A_54 = tpu.concatenate %broadcast_in_dim3A_52, %slice3A_53 in 1 : vector<1x2xi32>, vector<1x14xi32> -> vector<1x16xi32>
    %add3A_55 = arith.addi %add3A_50, %concatenate3A_54 : vector<1x16xi32>
    %broadcast_in_dim3A_56 = arith.constant 0 : i32
    %broadcast_in_dim3A_57 = vector.broadcast %broadcast_in_dim3A_56 : i32 to vector<1x4xi32>
    %slice3A_58 = vector.extract_strided_slice %add3A_55 {offsets = [0, 0], sizes = [1, 12], strides = [1, 1]} : vector<1x16xi32> to vector<1x12xi32>
    %concatenate3A_59 = tpu.concatenate %broadcast_in_dim3A_57, %slice3A_58 in 1 : vector<1x4xi32>, vector<1x12xi32> -> vector<1x16xi32>
    %add3A_60 = arith.addi %add3A_55, %concatenate3A_59 : vector<1x16xi32>
    %broadcast_in_dim3A_61 = arith.constant 0 : i32
    %broadcast_in_dim3A_62 = vector.broadcast %broadcast_in_dim3A_61 : i32 to vector<1x8xi32>
    %slice3A_63 = vector.extract_strided_slice %add3A_60 {offsets = [0, 0], sizes = [1, 8], strides = [1, 1]} : vector<1x16xi32> to vector<1x8xi32>
    %concatenate3A_64 = tpu.concatenate %broadcast_in_dim3A_62, %slice3A_63 in 1 : vector<1x8xi32>, vector<1x8xi32> -> vector<1x16xi32>
    %add3A_65 = arith.addi %add3A_60, %concatenate3A_64 : vector<1x16xi32>
    %swap3A_66 = arith.constant 0 : index
    %swap3A_67 = arith.constant 0 : index
    %swap3A_68 = vector.load %arg7[%swap3A_66, %swap3A_67] : memref<1x16xi32, #tpu.memory_space<vmem>>, vector<1x16xi32>
    tpu.vector_store %arg7[%swap3A_66, %swap3A_67], %add3A_65 {strides = array<i32>} : memref<1x16xi32, #tpu.memory_space<vmem>>, vector<1x16xi32>,
    %mul3A_69 = vector.broadcast %div3A_13 : vector<512x1xf32> to vector<512x256xf32>
    %mul3A_70 = arith.mulf %get3A_3, %mul3A_69 : vector<512x256xf32>
    %iota3A_71 = tpu.iota {dimensions = array<i32: 1>} : vector<512x128xi32>
    %eq3A_72 = arith.constant 0 : i32
    %eq3A_73 = vector.broadcast %eq3A_72 : i32 to vector<512x128xi32>
    %eq3A_74 = arith.cmpi eq, %iota3A_71, %eq3A_73 : vector<512x128xi32>
    %jit3A = arith.constant 0.000000e+00 : f32
    %broadcast_in_dim3A_75 = vector.shape_cast %div3A_13 : vector<512x1xf32> to vector<512x1xf32>
    %broadcast_in_dim3A_76 = vector.broadcast %broadcast_in_dim3A_75 : vector<512x1xf32> to vector<512x128xf32>
    %broadcast_in_dim3A_77 = vector.broadcast %jit3A : f32 to vector<512x128xf32>
    %select_n3A = arith.select %eq3A_74, %broadcast_in_dim3A_76, %broadcast_in_dim3A_77 : vector<512x128xi1>, vector<512x128xf32>
    %concatenate3A_78 = tpu.concatenate %mul3A_70, %select_n3A in 1 : vector<512x256xf32>, vector<512x128xf32> -> vector<512x384xf32>
    %swap3A_79 = arith.constant 0 : index
    %swap3A_80 = arith.constant 0 : index
    %swap3A_81 = vector.load %arg3[%swap3A_79, %swap3A_80] : memref<512x384xf32, #tpu.memory_space<vmem>>, vector<512x384xf32>
    tpu.vector_store %arg3[%swap3A_79, %swap3A_80], %concatenate3A_78 {strides = array<i32>} : memref<512x384xf32, #tpu.memory_space<vmem>>, vector<512x384xf32>,
    %reshape3A = vector.shape_cast %argmax3A : vector<512xi32> to vector<1x1x512xi32>
    %swap3A_82 = arith.constant 0 : index
    %swap3A_83 = arith.constant 0 : index
    %swap3A_84 = arith.constant 0 : index
    %swap3A_85 = vector.load %arg4[%swap3A_82, %swap3A_83, %swap3A_84] : memref<1x1x512xi32, #tpu.memory_space<vmem>>, vector<1x1x512xi32>
    tpu.vector_store %arg4[%swap3A_82, %swap3A_83, %swap3A_84], %reshape3A {strides = array<i32>} : memref<1x1x512xi32, #tpu.memory_space<vmem>>, vector<1x1x512xi32>,
    %convert_element_type3A_86 = arith.fptosi %reduce_sum3A_30 : vector<512xf32> to vector<512xi32>
    %reshape3A_87 = vector.shape_cast %convert_element_type3A_86 : vector<512xi32> to vector<1x1x512xi32>
    %swap3A_88 = arith.constant 0 : index
    %swap3A_89 = arith.constant 0 : index
    %swap3A_90 = arith.constant 0 : index
    %swap3A_91 = vector.load %arg5[%swap3A_88, %swap3A_89, %swap3A_90] : memref<1x1x512xi32, #tpu.memory_space<vmem>>, vector<1x1x512xi32>
    tpu.vector_store %arg5[%swap3A_88, %swap3A_89, %swap3A_90], %reshape3A_87 {strides = array<i32>} : memref<1x1x512xi32, #tpu.memory_space<vmem>>, vector<1x1x512xi32>,
    return
  }
  func.func @transform_0(%arg0: i32) -> (i32, i32) {
    %c0_i32 = arith.constant 0 : i32
    %c0_i32_0 = arith.constant 0 : i32
    return %arg0, %c0_i32 : i32, i32
  }
  func.func @transform_1(%arg0: i32) -> (i32, i32) {
    %c0_i32 = arith.constant 0 : i32
    %c0_i32_0 = arith.constant 0 : i32
    %c0_i32_1 = arith.constant 0 : i32
    return %c0_i32, %c0_i32_0 : i32, i32
  }
  func.func @transform_2(%arg0: i32) -> (i32, i32) {
    %c0_i32 = arith.constant 0 : i32
    %c0_i32_0 = arith.constant 0 : i32
    return %arg0, %c0_i32 : i32, i32
  }
  func.func @transform_3(%arg0: i32) -> (i32, i32, i32) {
    %c0_i32 = arith.constant 0 : i32
    %c0_i32_0 = arith.constant 0 : i32
    %c0_i32_1 = arith.constant 0 : i32
    return %arg0, %c0_i32, %c0_i32_0 : i32, i32, i32
  }
  func.func @transform_4(%arg0: i32) -> (i32, i32, i32) {
    %c0_i32 = arith.constant 0 : i32
    %c0_i32_0 = arith.constant 0 : i32
    %c0_i32_1 = arith.constant 0 : i32
    return %arg0, %c0_i32, %c0_i32_0 : i32, i32, i32
  }
  func.func @transform_5(%arg0: i32) -> (i32, i32) {
    %c0_i32 = arith.constant 0 : i32
    %c0_i32_0 = arith.constant 0 : i32
    %c0_i32_1 = arith.constant 0 : i32
    return %c0_i32, %c0_i32_0 : i32, i32
  }
  func.func @transform_6(%arg0: i32) -> (i32, i32) {
    %c0_i32 = arith.constant 0 : i32
    %c0_i32_0 = arith.constant 0 : i32
    %c0_i32_1 = arith.constant 0 : i32
    return %c0_i32, %c0_i32_0 : i32, i32
  }
}

module attributes {stable_mosaic.version = 14 : i64} {
  func.func @_gmm_kernel(%arg0: i32, %arg1: memref<8xi32, #tpu.memory_space<smem>>, %arg2: memref<256x384xf32, #tpu.memory_space<vmem>>, %arg3: memref<8x384x256xbf16, #tpu.memory_space<vmem>>, %arg4: memref<256x256xf32, #tpu.memory_space<vmem>>) attributes {dimension_semantics = [#tpu.dimension_semantics<arbitrary>], iteration_bounds = array<i64: 32>, scalar_prefetch = 1 : i64, scratch_operands = 0 : i64, tpu.core_type = #tpu.core_type<tc>, window_params = [{transform_indices = @transform_0, window_bounds = array<i64: 256, 384>}, {pipeline_mode = #tpu.pipeline_mode<synchronous>, transform_indices = @transform_1, window_bounds = array<i64: 8, 384, 256>}, {transform_indices = @transform_2, window_bounds = array<i64: 256, 256>}]} {
    %mul3A = arith.constant 256 : i32
    %mul3A_0 = arith.muli %arg0, %mul3A : i32
    %get3A = arith.constant 0 : index
    %get3A_1 = arith.constant 0 : index
    %get3A_2 = vector.load %arg2[%get3A, %get3A_1] : memref<256x384xf32, #tpu.memory_space<vmem>>, vector<256x384xf32>
    %convert_element_type3A = arith.truncf %get3A_2 : vector<256x384xf32> to vector<256x384xbf16>
    %iota3A = tpu.iota {dimensions = array<i32: 0>} : vector<256x1xi32>
    %add3A = vector.broadcast %mul3A_0 : i32 to vector<256x1xi32>
    %add3A_3 = arith.addi %iota3A, %add3A : vector<256x1xi32>
    %broadcast_in_dim3A = arith.constant 0.000000e+00 : f32
    %broadcast_in_dim3A_4 = vector.broadcast %broadcast_in_dim3A : f32 to vector<256x256xf32>
    %swap3A = arith.constant 0 : index
    %swap3A_5 = arith.constant 0 : index
    %swap3A_6 = vector.load %arg4[%swap3A, %swap3A_5] : memref<256x256xf32, #tpu.memory_space<vmem>>, vector<256x256xf32>
    tpu.vector_store %arg4[%swap3A, %swap3A_5], %broadcast_in_dim3A_4 {strides = array<i32>} : memref<256x256xf32, #tpu.memory_space<vmem>>, vector<256x256xf32>,
    %get3A_7 = arith.constant 0 : index
    %get3A_8 = memref.load %arg1[%get3A_7] : memref<8xi32, #tpu.memory_space<smem>>
    %add3A_9 = arith.constant 0 : i32
    %add3A_10 = arith.addi %add3A_9, %get3A_8 : i32
    %gt3A = arith.cmpi sgt, %add3A_10, %mul3A_0 : i32
    %add3A_11 = arith.constant 256 : i32
    %add3A_12 = arith.addi %mul3A_0, %add3A_11 : i32
    %lt3A = arith.constant 0 : i32
    %lt3A_13 = arith.cmpi slt, %lt3A, %add3A_12 : i32
    %and3A = arith.andi %gt3A, %lt3A_13 : i1
    %convert_element_type3A_14 = arith.extui %and3A : i1 to i32
    %cond3A = arith.constant 0 : i32
    %cond3A_15 = arith.constant 0 : i32
    %cond3A_16 = arith.cmpi ne, %convert_element_type3A_14, %cond3A_15 : i32
    scf.if %cond3A_16 {
      %get3A_94 = arith.constant 0 : index
      %get3A_95 = arith.constant 0 : index
      %get3A_96 = arith.constant 0 : index
      %get3A_97 = vector.load %arg3[%get3A_94, %get3A_95, %get3A_96] : memref<8x384x256xbf16, #tpu.memory_space<vmem>>, vector<1x384x256xbf16>
      %get3A_98 = vector.shape_cast %get3A_97 : vector<1x384x256xbf16> to vector<384x256xbf16>
      %dot_general3A = arith.constant dense<0.000000e+00> : vector<256x256xf32>
      %dot_general3A_99 = tpu.matmul %convert_element_type3A, %get3A_98, %dot_general3A {dimension_numbers = #tpu.dot_dimension_numbers<[1], [0], [0], [1], [0, 0, 1, 1], [], []>, transpose_lhs_hint = false} : vector<256x384xbf16>, vector<384x256xbf16>, vector<256x256xf32> -> vector<256x256xf32>
      %ge3A = vector.broadcast %cond3A : i32 to vector<256x1xi32>
      %ge3A_100 = arith.cmpi sge, %add3A_3, %ge3A : vector<256x1xi32>
      %lt3A_101 = vector.broadcast %add3A_10 : i32 to vector<256x1xi32>
      %lt3A_102 = arith.cmpi slt, %add3A_3, %lt3A_101 : vector<256x1xi32>
      %and3A_103 = arith.andi %ge3A_100, %lt3A_102 : vector<256x1xi1>
      %get3A_104 = arith.constant 0 : index
      %get3A_105 = arith.constant 0 : index
      %get3A_106 = vector.load %arg4[%get3A_104, %get3A_105] : memref<256x256xf32, #tpu.memory_space<vmem>>, vector<256x256xf32>
      %jit3A = arith.constant 0.000000e+00 : f32
      %broadcast_in_dim3A_107 = vector.shape_cast %and3A_103 : vector<256x1xi1> to vector<256x1xi1>
      %broadcast_in_dim3A_108 = vector.broadcast %broadcast_in_dim3A_107 : vector<256x1xi1> to vector<256x256xi1>
      %broadcast_in_dim3A_109 = vector.broadcast %jit3A : f32 to vector<256x256xf32>
      %select_n3A = arith.select %broadcast_in_dim3A_108, %dot_general3A_99, %broadcast_in_dim3A_109 : vector<256x256xi1>, vector<256x256xf32>
      %add3A_110 = arith.addf %get3A_106, %select_n3A : vector<256x256xf32>
      %swap3A_111 = arith.constant 0 : index
      %swap3A_112 = arith.constant 0 : index
      %swap3A_113 = vector.load %arg4[%swap3A_111, %swap3A_112] : memref<256x256xf32, #tpu.memory_space<vmem>>, vector<256x256xf32>
      tpu.vector_store %arg4[%swap3A_111, %swap3A_112], %add3A_110 {strides = array<i32>} : memref<256x256xf32, #tpu.memory_space<vmem>>, vector<256x256xf32>,
    } else {
    }
    %get3A_17 = arith.constant 1 : index
    %get3A_18 = memref.load %arg1[%get3A_17] : memref<8xi32, #tpu.memory_space<smem>>
    %add3A_19 = arith.addi %add3A_10, %get3A_18 : i32
    %gt3A_20 = arith.cmpi sgt, %add3A_19, %mul3A_0 : i32
    %add3A_21 = arith.constant 256 : i32
    %add3A_22 = arith.addi %mul3A_0, %add3A_21 : i32
    %lt3A_23 = arith.cmpi slt, %add3A_10, %add3A_22 : i32
    %and3A_24 = arith.andi %gt3A_20, %lt3A_23 : i1
    %convert_element_type3A_25 = arith.extui %and3A_24 : i1 to i32
    %cond3A_26 = arith.constant 0 : i32
    %cond3A_27 = arith.cmpi ne, %convert_element_type3A_25, %cond3A_26 : i32
    scf.if %cond3A_27 {
      %get3A_94 = arith.constant 1 : index
      %get3A_95 = arith.constant 0 : index
      %get3A_96 = arith.constant 0 : index
      %get3A_97 = vector.load %arg3[%get3A_94, %get3A_95, %get3A_96] : memref<8x384x256xbf16, #tpu.memory_space<vmem>>, vector<1x384x256xbf16>
      %get3A_98 = vector.shape_cast %get3A_97 : vector<1x384x256xbf16> to vector<384x256xbf16>
      %dot_general3A = arith.constant dense<0.000000e+00> : vector<256x256xf32>
      %dot_general3A_99 = tpu.matmul %convert_element_type3A, %get3A_98, %dot_general3A {dimension_numbers = #tpu.dot_dimension_numbers<[1], [0], [0], [1], [0, 0, 1, 1], [], []>, transpose_lhs_hint = false} : vector<256x384xbf16>, vector<384x256xbf16>, vector<256x256xf32> -> vector<256x256xf32>
      %ge3A = vector.broadcast %add3A_10 : i32 to vector<256x1xi32>
      %ge3A_100 = arith.cmpi sge, %add3A_3, %ge3A : vector<256x1xi32>
      %lt3A_101 = vector.broadcast %add3A_19 : i32 to vector<256x1xi32>
      %lt3A_102 = arith.cmpi slt, %add3A_3, %lt3A_101 : vector<256x1xi32>
      %and3A_103 = arith.andi %ge3A_100, %lt3A_102 : vector<256x1xi1>
      %get3A_104 = arith.constant 0 : index
      %get3A_105 = arith.constant 0 : index
      %get3A_106 = vector.load %arg4[%get3A_104, %get3A_105] : memref<256x256xf32, #tpu.memory_space<vmem>>, vector<256x256xf32>
      %jit3A = arith.constant 0.000000e+00 : f32
      %broadcast_in_dim3A_107 = vector.shape_cast %and3A_103 : vector<256x1xi1> to vector<256x1xi1>
      %broadcast_in_dim3A_108 = vector.broadcast %broadcast_in_dim3A_107 : vector<256x1xi1> to vector<256x256xi1>
      %broadcast_in_dim3A_109 = vector.broadcast %jit3A : f32 to vector<256x256xf32>
      %select_n3A = arith.select %broadcast_in_dim3A_108, %dot_general3A_99, %broadcast_in_dim3A_109 : vector<256x256xi1>, vector<256x256xf32>
      %add3A_110 = arith.addf %get3A_106, %select_n3A : vector<256x256xf32>
      %swap3A_111 = arith.constant 0 : index
      %swap3A_112 = arith.constant 0 : index
      %swap3A_113 = vector.load %arg4[%swap3A_111, %swap3A_112] : memref<256x256xf32, #tpu.memory_space<vmem>>, vector<256x256xf32>
      tpu.vector_store %arg4[%swap3A_111, %swap3A_112], %add3A_110 {strides = array<i32>} : memref<256x256xf32, #tpu.memory_space<vmem>>, vector<256x256xf32>,
    } else {
    }
    %get3A_28 = arith.constant 2 : index
    %get3A_29 = memref.load %arg1[%get3A_28] : memref<8xi32, #tpu.memory_space<smem>>
    %add3A_30 = arith.addi %add3A_19, %get3A_29 : i32
    %gt3A_31 = arith.cmpi sgt, %add3A_30, %mul3A_0 : i32
    %add3A_32 = arith.constant 256 : i32
    %add3A_33 = arith.addi %mul3A_0, %add3A_32 : i32
    %lt3A_34 = arith.cmpi slt, %add3A_19, %add3A_33 : i32
    %and3A_35 = arith.andi %gt3A_31, %lt3A_34 : i1
    %convert_element_type3A_36 = arith.extui %and3A_35 : i1 to i32
    %cond3A_37 = arith.constant 0 : i32
    %cond3A_38 = arith.cmpi ne, %convert_element_type3A_36, %cond3A_37 : i32
    scf.if %cond3A_38 {
      %get3A_94 = arith.constant 2 : index
      %get3A_95 = arith.constant 0 : index
      %get3A_96 = arith.constant 0 : index
      %get3A_97 = vector.load %arg3[%get3A_94, %get3A_95, %get3A_96] : memref<8x384x256xbf16, #tpu.memory_space<vmem>>, vector<1x384x256xbf16>
      %get3A_98 = vector.shape_cast %get3A_97 : vector<1x384x256xbf16> to vector<384x256xbf16>
      %dot_general3A = arith.constant dense<0.000000e+00> : vector<256x256xf32>
      %dot_general3A_99 = tpu.matmul %convert_element_type3A, %get3A_98, %dot_general3A {dimension_numbers = #tpu.dot_dimension_numbers<[1], [0], [0], [1], [0, 0, 1, 1], [], []>, transpose_lhs_hint = false} : vector<256x384xbf16>, vector<384x256xbf16>, vector<256x256xf32> -> vector<256x256xf32>
      %ge3A = vector.broadcast %add3A_19 : i32 to vector<256x1xi32>
      %ge3A_100 = arith.cmpi sge, %add3A_3, %ge3A : vector<256x1xi32>
      %lt3A_101 = vector.broadcast %add3A_30 : i32 to vector<256x1xi32>
      %lt3A_102 = arith.cmpi slt, %add3A_3, %lt3A_101 : vector<256x1xi32>
      %and3A_103 = arith.andi %ge3A_100, %lt3A_102 : vector<256x1xi1>
      %get3A_104 = arith.constant 0 : index
      %get3A_105 = arith.constant 0 : index
      %get3A_106 = vector.load %arg4[%get3A_104, %get3A_105] : memref<256x256xf32, #tpu.memory_space<vmem>>, vector<256x256xf32>
      %jit3A = arith.constant 0.000000e+00 : f32
      %broadcast_in_dim3A_107 = vector.shape_cast %and3A_103 : vector<256x1xi1> to vector<256x1xi1>
      %broadcast_in_dim3A_108 = vector.broadcast %broadcast_in_dim3A_107 : vector<256x1xi1> to vector<256x256xi1>
      %broadcast_in_dim3A_109 = vector.broadcast %jit3A : f32 to vector<256x256xf32>
      %select_n3A = arith.select %broadcast_in_dim3A_108, %dot_general3A_99, %broadcast_in_dim3A_109 : vector<256x256xi1>, vector<256x256xf32>
      %add3A_110 = arith.addf %get3A_106, %select_n3A : vector<256x256xf32>
      %swap3A_111 = arith.constant 0 : index
      %swap3A_112 = arith.constant 0 : index
      %swap3A_113 = vector.load %arg4[%swap3A_111, %swap3A_112] : memref<256x256xf32, #tpu.memory_space<vmem>>, vector<256x256xf32>
      tpu.vector_store %arg4[%swap3A_111, %swap3A_112], %add3A_110 {strides = array<i32>} : memref<256x256xf32, #tpu.memory_space<vmem>>, vector<256x256xf32>,
    } else {
    }
    %get3A_39 = arith.constant 3 : index
    %get3A_40 = memref.load %arg1[%get3A_39] : memref<8xi32, #tpu.memory_space<smem>>
    %add3A_41 = arith.addi %add3A_30, %get3A_40 : i32
    %gt3A_42 = arith.cmpi sgt, %add3A_41, %mul3A_0 : i32
    %add3A_43 = arith.constant 256 : i32
    %add3A_44 = arith.addi %mul3A_0, %add3A_43 : i32
    %lt3A_45 = arith.cmpi slt, %add3A_30, %add3A_44 : i32
    %and3A_46 = arith.andi %gt3A_42, %lt3A_45 : i1
    %convert_element_type3A_47 = arith.extui %and3A_46 : i1 to i32
    %cond3A_48 = arith.constant 0 : i32
    %cond3A_49 = arith.cmpi ne, %convert_element_type3A_47, %cond3A_48 : i32
    scf.if %cond3A_49 {
      %get3A_94 = arith.constant 3 : index
      %get3A_95 = arith.constant 0 : index
      %get3A_96 = arith.constant 0 : index
      %get3A_97 = vector.load %arg3[%get3A_94, %get3A_95, %get3A_96] : memref<8x384x256xbf16, #tpu.memory_space<vmem>>, vector<1x384x256xbf16>
      %get3A_98 = vector.shape_cast %get3A_97 : vector<1x384x256xbf16> to vector<384x256xbf16>
      %dot_general3A = arith.constant dense<0.000000e+00> : vector<256x256xf32>
      %dot_general3A_99 = tpu.matmul %convert_element_type3A, %get3A_98, %dot_general3A {dimension_numbers = #tpu.dot_dimension_numbers<[1], [0], [0], [1], [0, 0, 1, 1], [], []>, transpose_lhs_hint = false} : vector<256x384xbf16>, vector<384x256xbf16>, vector<256x256xf32> -> vector<256x256xf32>
      %ge3A = vector.broadcast %add3A_30 : i32 to vector<256x1xi32>
      %ge3A_100 = arith.cmpi sge, %add3A_3, %ge3A : vector<256x1xi32>
      %lt3A_101 = vector.broadcast %add3A_41 : i32 to vector<256x1xi32>
      %lt3A_102 = arith.cmpi slt, %add3A_3, %lt3A_101 : vector<256x1xi32>
      %and3A_103 = arith.andi %ge3A_100, %lt3A_102 : vector<256x1xi1>
      %get3A_104 = arith.constant 0 : index
      %get3A_105 = arith.constant 0 : index
      %get3A_106 = vector.load %arg4[%get3A_104, %get3A_105] : memref<256x256xf32, #tpu.memory_space<vmem>>, vector<256x256xf32>
      %jit3A = arith.constant 0.000000e+00 : f32
      %broadcast_in_dim3A_107 = vector.shape_cast %and3A_103 : vector<256x1xi1> to vector<256x1xi1>
      %broadcast_in_dim3A_108 = vector.broadcast %broadcast_in_dim3A_107 : vector<256x1xi1> to vector<256x256xi1>
      %broadcast_in_dim3A_109 = vector.broadcast %jit3A : f32 to vector<256x256xf32>
      %select_n3A = arith.select %broadcast_in_dim3A_108, %dot_general3A_99, %broadcast_in_dim3A_109 : vector<256x256xi1>, vector<256x256xf32>
      %add3A_110 = arith.addf %get3A_106, %select_n3A : vector<256x256xf32>
      %swap3A_111 = arith.constant 0 : index
      %swap3A_112 = arith.constant 0 : index
      %swap3A_113 = vector.load %arg4[%swap3A_111, %swap3A_112] : memref<256x256xf32, #tpu.memory_space<vmem>>, vector<256x256xf32>
      tpu.vector_store %arg4[%swap3A_111, %swap3A_112], %add3A_110 {strides = array<i32>} : memref<256x256xf32, #tpu.memory_space<vmem>>, vector<256x256xf32>,
    } else {
    }
    %get3A_50 = arith.constant 4 : index
    %get3A_51 = memref.load %arg1[%get3A_50] : memref<8xi32, #tpu.memory_space<smem>>
    %add3A_52 = arith.addi %add3A_41, %get3A_51 : i32
    %gt3A_53 = arith.cmpi sgt, %add3A_52, %mul3A_0 : i32
    %add3A_54 = arith.constant 256 : i32
    %add3A_55 = arith.addi %mul3A_0, %add3A_54 : i32
    %lt3A_56 = arith.cmpi slt, %add3A_41, %add3A_55 : i32
    %and3A_57 = arith.andi %gt3A_53, %lt3A_56 : i1
    %convert_element_type3A_58 = arith.extui %and3A_57 : i1 to i32
    %cond3A_59 = arith.constant 0 : i32
    %cond3A_60 = arith.cmpi ne, %convert_element_type3A_58, %cond3A_59 : i32
    scf.if %cond3A_60 {
      %get3A_94 = arith.constant 4 : index
      %get3A_95 = arith.constant 0 : index
      %get3A_96 = arith.constant 0 : index
      %get3A_97 = vector.load %arg3[%get3A_94, %get3A_95, %get3A_96] : memref<8x384x256xbf16, #tpu.memory_space<vmem>>, vector<1x384x256xbf16>
      %get3A_98 = vector.shape_cast %get3A_97 : vector<1x384x256xbf16> to vector<384x256xbf16>
      %dot_general3A = arith.constant dense<0.000000e+00> : vector<256x256xf32>
      %dot_general3A_99 = tpu.matmul %convert_element_type3A, %get3A_98, %dot_general3A {dimension_numbers = #tpu.dot_dimension_numbers<[1], [0], [0], [1], [0, 0, 1, 1], [], []>, transpose_lhs_hint = false} : vector<256x384xbf16>, vector<384x256xbf16>, vector<256x256xf32> -> vector<256x256xf32>
      %ge3A = vector.broadcast %add3A_41 : i32 to vector<256x1xi32>
      %ge3A_100 = arith.cmpi sge, %add3A_3, %ge3A : vector<256x1xi32>
      %lt3A_101 = vector.broadcast %add3A_52 : i32 to vector<256x1xi32>
      %lt3A_102 = arith.cmpi slt, %add3A_3, %lt3A_101 : vector<256x1xi32>
      %and3A_103 = arith.andi %ge3A_100, %lt3A_102 : vector<256x1xi1>
      %get3A_104 = arith.constant 0 : index
      %get3A_105 = arith.constant 0 : index
      %get3A_106 = vector.load %arg4[%get3A_104, %get3A_105] : memref<256x256xf32, #tpu.memory_space<vmem>>, vector<256x256xf32>
      %jit3A = arith.constant 0.000000e+00 : f32
      %broadcast_in_dim3A_107 = vector.shape_cast %and3A_103 : vector<256x1xi1> to vector<256x1xi1>
      %broadcast_in_dim3A_108 = vector.broadcast %broadcast_in_dim3A_107 : vector<256x1xi1> to vector<256x256xi1>
      %broadcast_in_dim3A_109 = vector.broadcast %jit3A : f32 to vector<256x256xf32>
      %select_n3A = arith.select %broadcast_in_dim3A_108, %dot_general3A_99, %broadcast_in_dim3A_109 : vector<256x256xi1>, vector<256x256xf32>
      %add3A_110 = arith.addf %get3A_106, %select_n3A : vector<256x256xf32>
      %swap3A_111 = arith.constant 0 : index
      %swap3A_112 = arith.constant 0 : index
      %swap3A_113 = vector.load %arg4[%swap3A_111, %swap3A_112] : memref<256x256xf32, #tpu.memory_space<vmem>>, vector<256x256xf32>
      tpu.vector_store %arg4[%swap3A_111, %swap3A_112], %add3A_110 {strides = array<i32>} : memref<256x256xf32, #tpu.memory_space<vmem>>, vector<256x256xf32>,
    } else {
    }
    %get3A_61 = arith.constant 5 : index
    %get3A_62 = memref.load %arg1[%get3A_61] : memref<8xi32, #tpu.memory_space<smem>>
    %add3A_63 = arith.addi %add3A_52, %get3A_62 : i32
    %gt3A_64 = arith.cmpi sgt, %add3A_63, %mul3A_0 : i32
    %add3A_65 = arith.constant 256 : i32
    %add3A_66 = arith.addi %mul3A_0, %add3A_65 : i32
    %lt3A_67 = arith.cmpi slt, %add3A_52, %add3A_66 : i32
    %and3A_68 = arith.andi %gt3A_64, %lt3A_67 : i1
    %convert_element_type3A_69 = arith.extui %and3A_68 : i1 to i32
    %cond3A_70 = arith.constant 0 : i32
    %cond3A_71 = arith.cmpi ne, %convert_element_type3A_69, %cond3A_70 : i32
    scf.if %cond3A_71 {
      %get3A_94 = arith.constant 5 : index
      %get3A_95 = arith.constant 0 : index
      %get3A_96 = arith.constant 0 : index
      %get3A_97 = vector.load %arg3[%get3A_94, %get3A_95, %get3A_96] : memref<8x384x256xbf16, #tpu.memory_space<vmem>>, vector<1x384x256xbf16>
      %get3A_98 = vector.shape_cast %get3A_97 : vector<1x384x256xbf16> to vector<384x256xbf16>
      %dot_general3A = arith.constant dense<0.000000e+00> : vector<256x256xf32>
      %dot_general3A_99 = tpu.matmul %convert_element_type3A, %get3A_98, %dot_general3A {dimension_numbers = #tpu.dot_dimension_numbers<[1], [0], [0], [1], [0, 0, 1, 1], [], []>, transpose_lhs_hint = false} : vector<256x384xbf16>, vector<384x256xbf16>, vector<256x256xf32> -> vector<256x256xf32>
      %ge3A = vector.broadcast %add3A_52 : i32 to vector<256x1xi32>
      %ge3A_100 = arith.cmpi sge, %add3A_3, %ge3A : vector<256x1xi32>
      %lt3A_101 = vector.broadcast %add3A_63 : i32 to vector<256x1xi32>
      %lt3A_102 = arith.cmpi slt, %add3A_3, %lt3A_101 : vector<256x1xi32>
      %and3A_103 = arith.andi %ge3A_100, %lt3A_102 : vector<256x1xi1>
      %get3A_104 = arith.constant 0 : index
      %get3A_105 = arith.constant 0 : index
      %get3A_106 = vector.load %arg4[%get3A_104, %get3A_105] : memref<256x256xf32, #tpu.memory_space<vmem>>, vector<256x256xf32>
      %jit3A = arith.constant 0.000000e+00 : f32
      %broadcast_in_dim3A_107 = vector.shape_cast %and3A_103 : vector<256x1xi1> to vector<256x1xi1>
      %broadcast_in_dim3A_108 = vector.broadcast %broadcast_in_dim3A_107 : vector<256x1xi1> to vector<256x256xi1>
      %broadcast_in_dim3A_109 = vector.broadcast %jit3A : f32 to vector<256x256xf32>
      %select_n3A = arith.select %broadcast_in_dim3A_108, %dot_general3A_99, %broadcast_in_dim3A_109 : vector<256x256xi1>, vector<256x256xf32>
      %add3A_110 = arith.addf %get3A_106, %select_n3A : vector<256x256xf32>
      %swap3A_111 = arith.constant 0 : index
      %swap3A_112 = arith.constant 0 : index
      %swap3A_113 = vector.load %arg4[%swap3A_111, %swap3A_112] : memref<256x256xf32, #tpu.memory_space<vmem>>, vector<256x256xf32>
      tpu.vector_store %arg4[%swap3A_111, %swap3A_112], %add3A_110 {strides = array<i32>} : memref<256x256xf32, #tpu.memory_space<vmem>>, vector<256x256xf32>,
    } else {
    }
    %get3A_72 = arith.constant 6 : index
    %get3A_73 = memref.load %arg1[%get3A_72] : memref<8xi32, #tpu.memory_space<smem>>
    %add3A_74 = arith.addi %add3A_63, %get3A_73 : i32
    %gt3A_75 = arith.cmpi sgt, %add3A_74, %mul3A_0 : i32
    %add3A_76 = arith.constant 256 : i32
    %add3A_77 = arith.addi %mul3A_0, %add3A_76 : i32
    %lt3A_78 = arith.cmpi slt, %add3A_63, %add3A_77 : i32
    %and3A_79 = arith.andi %gt3A_75, %lt3A_78 : i1
    %convert_element_type3A_80 = arith.extui %and3A_79 : i1 to i32
    %cond3A_81 = arith.constant 0 : i32
    %cond3A_82 = arith.cmpi ne, %convert_element_type3A_80, %cond3A_81 : i32
    scf.if %cond3A_82 {
      %get3A_94 = arith.constant 6 : index
      %get3A_95 = arith.constant 0 : index
      %get3A_96 = arith.constant 0 : index
      %get3A_97 = vector.load %arg3[%get3A_94, %get3A_95, %get3A_96] : memref<8x384x256xbf16, #tpu.memory_space<vmem>>, vector<1x384x256xbf16>
      %get3A_98 = vector.shape_cast %get3A_97 : vector<1x384x256xbf16> to vector<384x256xbf16>
      %dot_general3A = arith.constant dense<0.000000e+00> : vector<256x256xf32>
      %dot_general3A_99 = tpu.matmul %convert_element_type3A, %get3A_98, %dot_general3A {dimension_numbers = #tpu.dot_dimension_numbers<[1], [0], [0], [1], [0, 0, 1, 1], [], []>, transpose_lhs_hint = false} : vector<256x384xbf16>, vector<384x256xbf16>, vector<256x256xf32> -> vector<256x256xf32>
      %ge3A = vector.broadcast %add3A_63 : i32 to vector<256x1xi32>
      %ge3A_100 = arith.cmpi sge, %add3A_3, %ge3A : vector<256x1xi32>
      %lt3A_101 = vector.broadcast %add3A_74 : i32 to vector<256x1xi32>
      %lt3A_102 = arith.cmpi slt, %add3A_3, %lt3A_101 : vector<256x1xi32>
      %and3A_103 = arith.andi %ge3A_100, %lt3A_102 : vector<256x1xi1>
      %get3A_104 = arith.constant 0 : index
      %get3A_105 = arith.constant 0 : index
      %get3A_106 = vector.load %arg4[%get3A_104, %get3A_105] : memref<256x256xf32, #tpu.memory_space<vmem>>, vector<256x256xf32>
      %jit3A = arith.constant 0.000000e+00 : f32
      %broadcast_in_dim3A_107 = vector.shape_cast %and3A_103 : vector<256x1xi1> to vector<256x1xi1>
      %broadcast_in_dim3A_108 = vector.broadcast %broadcast_in_dim3A_107 : vector<256x1xi1> to vector<256x256xi1>
      %broadcast_in_dim3A_109 = vector.broadcast %jit3A : f32 to vector<256x256xf32>
      %select_n3A = arith.select %broadcast_in_dim3A_108, %dot_general3A_99, %broadcast_in_dim3A_109 : vector<256x256xi1>, vector<256x256xf32>
      %add3A_110 = arith.addf %get3A_106, %select_n3A : vector<256x256xf32>
      %swap3A_111 = arith.constant 0 : index
      %swap3A_112 = arith.constant 0 : index
      %swap3A_113 = vector.load %arg4[%swap3A_111, %swap3A_112] : memref<256x256xf32, #tpu.memory_space<vmem>>, vector<256x256xf32>
      tpu.vector_store %arg4[%swap3A_111, %swap3A_112], %add3A_110 {strides = array<i32>} : memref<256x256xf32, #tpu.memory_space<vmem>>, vector<256x256xf32>,
    } else {
    }
    %get3A_83 = arith.constant 7 : index
    %get3A_84 = memref.load %arg1[%get3A_83] : memref<8xi32, #tpu.memory_space<smem>>
    %add3A_85 = arith.addi %add3A_74, %get3A_84 : i32
    %gt3A_86 = arith.cmpi sgt, %add3A_85, %mul3A_0 : i32
    %add3A_87 = arith.constant 256 : i32
    %add3A_88 = arith.addi %mul3A_0, %add3A_87 : i32
    %lt3A_89 = arith.cmpi slt, %add3A_74, %add3A_88 : i32
    %and3A_90 = arith.andi %gt3A_86, %lt3A_89 : i1
    %convert_element_type3A_91 = arith.extui %and3A_90 : i1 to i32
    %cond3A_92 = arith.constant 0 : i32
    %cond3A_93 = arith.cmpi ne, %convert_element_type3A_91, %cond3A_92 : i32
    scf.if %cond3A_93 {
      %get3A_94 = arith.constant 7 : index
      %get3A_95 = arith.constant 0 : index
      %get3A_96 = arith.constant 0 : index
      %get3A_97 = vector.load %arg3[%get3A_94, %get3A_95, %get3A_96] : memref<8x384x256xbf16, #tpu.memory_space<vmem>>, vector<1x384x256xbf16>
      %get3A_98 = vector.shape_cast %get3A_97 : vector<1x384x256xbf16> to vector<384x256xbf16>
      %dot_general3A = arith.constant dense<0.000000e+00> : vector<256x256xf32>
      %dot_general3A_99 = tpu.matmul %convert_element_type3A, %get3A_98, %dot_general3A {dimension_numbers = #tpu.dot_dimension_numbers<[1], [0], [0], [1], [0, 0, 1, 1], [], []>, transpose_lhs_hint = false} : vector<256x384xbf16>, vector<384x256xbf16>, vector<256x256xf32> -> vector<256x256xf32>
      %ge3A = vector.broadcast %add3A_74 : i32 to vector<256x1xi32>
      %ge3A_100 = arith.cmpi sge, %add3A_3, %ge3A : vector<256x1xi32>
      %lt3A_101 = vector.broadcast %add3A_85 : i32 to vector<256x1xi32>
      %lt3A_102 = arith.cmpi slt, %add3A_3, %lt3A_101 : vector<256x1xi32>
      %and3A_103 = arith.andi %ge3A_100, %lt3A_102 : vector<256x1xi1>
      %get3A_104 = arith.constant 0 : index
      %get3A_105 = arith.constant 0 : index
      %get3A_106 = vector.load %arg4[%get3A_104, %get3A_105] : memref<256x256xf32, #tpu.memory_space<vmem>>, vector<256x256xf32>
      %jit3A = arith.constant 0.000000e+00 : f32
      %broadcast_in_dim3A_107 = vector.shape_cast %and3A_103 : vector<256x1xi1> to vector<256x1xi1>
      %broadcast_in_dim3A_108 = vector.broadcast %broadcast_in_dim3A_107 : vector<256x1xi1> to vector<256x256xi1>
      %broadcast_in_dim3A_109 = vector.broadcast %jit3A : f32 to vector<256x256xf32>
      %select_n3A = arith.select %broadcast_in_dim3A_108, %dot_general3A_99, %broadcast_in_dim3A_109 : vector<256x256xi1>, vector<256x256xf32>
      %add3A_110 = arith.addf %get3A_106, %select_n3A : vector<256x256xf32>
      %swap3A_111 = arith.constant 0 : index
      %swap3A_112 = arith.constant 0 : index
      %swap3A_113 = vector.load %arg4[%swap3A_111, %swap3A_112] : memref<256x256xf32, #tpu.memory_space<vmem>>, vector<256x256xf32>
      tpu.vector_store %arg4[%swap3A_111, %swap3A_112], %add3A_110 {strides = array<i32>} : memref<256x256xf32, #tpu.memory_space<vmem>>, vector<256x256xf32>,
    } else {
    }
    return
  }
  func.func @transform_0(%arg0: i32, %arg1: memref<8xi32, #tpu.memory_space<smem>>) -> (i32, i32) {
    %c0_i32 = arith.constant 0 : i32
    %c0_i32_0 = arith.constant 0 : i32
    return %arg0, %c0_i32 : i32, i32
  }
  func.func @transform_1(%arg0: i32, %arg1: memref<8xi32, #tpu.memory_space<smem>>) -> (i32, i32, i32) {
    %c0_i32 = arith.constant 0 : i32
    %c0_i32_0 = arith.constant 0 : i32
    %c0_i32_1 = arith.constant 0 : i32
    %c0_i32_2 = arith.constant 0 : i32
    return %c0_i32, %c0_i32_0, %c0_i32_1 : i32, i32, i32
  }
  func.func @transform_2(%arg0: i32, %arg1: memref<8xi32, #tpu.memory_space<smem>>) -> (i32, i32) {
    %c0_i32 = arith.constant 0 : i32
    %c0_i32_0 = arith.constant 0 : i32
    return %arg0, %c0_i32 : i32, i32
  }
}

</mosaic_0001>

<sc_bundles>
// kernel: kernel.6.cloned.1.call-start
scs
__scs_entry_jumppad:
0x0: {  	(pc) =	sbr.rel $0x88, $3  }
0x1: {  	(tag) =	ssettag $0x0;
	lr =	simm.s32 $0x1  }
0x2: {  	[smem:$0x3F9D] =	sst lr;
	_ =	strace $0xD0000000  }
0x3: {  	_ = 	snop  }
0x4: {  	_ = 	snop  }
0x5: {  	_ = 	snop  }
0x6: {  	_ = 	snop  }
0x7: {  	_ = 	snop  }
__scs_overlays_trampoline_lowered:
0x8: {  	[smem:$0x3FAC] =	sst s0  }
0x9: {  	[smem:$0x3FAD] =	sst s1  }
0xa: {  	[smem:$0x3FAE] =	sst s2  }
0xb: {  	[smem:$0x3FAF] =	sst s3  }
0xc: {  	[smem:$0x3FB0] =	sst s4  }
0xd: {  	[smem:$0x3FB1] =	sst s5  }
0xe: {  	[smem:$0x3FB2] =	sst s6  }
0xf: {  	[smem:$0x3FB3] =	sst s7  }
0x10: {  	[smem:$0x3FB4] =	sst s8  }
0x11: {  	[smem:$0x3FB5] =	sst s9;
	s0 =	simm.s32 @!p0 $0x0  }
0x12: {  	s1 =	sld [smem:$0x3F9B];
	s0 =	simm.s32 @p0 $0x1  }
0x13: {  	[smem:$0x3FB6] =	sst s0;
	s0 =	simm.s32 @!p1 $0x0  }
0x14: {  	s2 =	sld [smem:$0x3F9A];
	s0 =	simm.s32 @p1 $0x1  }
0x15: {  	[smem:$0x3FB7] =	sst s0;
	s0 =	simm.s32 @!p2 $0x0  }
0x16: {  	s3 =	sld [smem:$0x3FDB];
	s0 =	simm.s32 @p2 $0x1  }
0x17: {  	s4 =	simm.s32 $0x1BF5;
	[smem:$0x3FB9] =	sst s0  }
0x18: {  	s0 =	sld [smem:$0x3F9C];
	_ =	swait.ge [sflag:s4], $0x0  }
0x19: {  	s7 =	sld [smem:$0x3F9D]  }
0x1a: {  	s8 =	sadd.s32 $0xFFFFE003, lr  }
0x1b: {  	s9 =	sadd.s32 $0xFFFFFEF7, lr;
	s5 =	simm.s32 $0xFFFFFFFF;
	p2 =	slt.u32 s8, $0xFFFFF086  }
0x1c: {  	p1 =	slt.u32 s9, $0xF7A;
	s5 =	simm.s32 @!p2 $0x0  }
0x1d: {  	s5 =	simm.s32 @p1 $0x1;
	p0 =	seq.s32 s7, s2  }
0x1e: {  	s7 =	smul.u32 @!p0 $0xF7A, s2;
	p2 =	seq.s32 @!p0 s5, $0x0  }
0x1f: {  	s9 =	smul.u32 $0xF7A, s1;
	s8 =	simm.s32 @!p0 $0x1BF5;
	p2 =	por !p2, p0  }
0x20: {  	[sflag:s8] =	ssyncset.s32 @!p0 $0xFFFFF086;
	s6 =	sadd.s32 @!p0 s3, s7;
	s7 =	simm.s32 @!p0 $0x108  }
0x21: {  	s3 =	sadd.s32 s3, s9;
	s6 =	sadd.s32 @!p0 $0x88, s6;
	s7 =	simm.s32 @p2 $0x1082  }
0x22: {  	[simem:s7], [sflag:s8] =	dma.local @!p0 [hbm:s6], $0xF7A  }
0x23: {  	s9 =	sor.u32 $0xD0000000, s2;
	s6 =	simm.s32 $0x108;
	_ =	swait.ge @!p0 [sflag:s8], $0x0  }
0x24: {  	s3 =	sadd.s32 $0x88, s3;
	s6 =	simm.s32 @!p1 $0x1082;
	[sflag:s4] =	ssyncset.s32 $0xFFFFF086  }
0x25: {  	[simem:s6], [sflag:s4] =	dma.local [hbm:s3], $0xF7A  }
0x26: {  	[smem:$0x3F9D] =	sst s1;
	(tag) =	ssettag s2;
	_ =	strace s9  }
0x27: {  	s1 =	sld [smem:$0x3FAD]  }
0x28: {  	s2 =	sld [smem:$0x3FAE]  }
0x29: {  	s4 =	sld [smem:$0x3FB0]  }
0x2a: {  	p0 =	seq.s32 s5, $0x0;
	s5 =	sld [smem:$0x3FB1]  }
0x2b: {  	s6 =	sld [smem:$0x3FB2]  }
0x2c: {  	s7 =	sld [smem:$0x3FB3]  }
0x2d: {  	s3 =	simm.s32 $0x108;
	s8 =	sld [smem:$0x3FB4]  }
0x2e: {  	s3 =	simm.s32 @!p0 $0x1082;
	s9 =	sld [smem:$0x3FB5]  }
0x2f: {  	lr =	sadd.s32 s0, s3;
	s0 =	sld [smem:$0x3FAC]  }
0x30: {  	s3 =	sld [smem:$0x3FAF]  }
0x31: {  	[smem:$0x3FB8] =	sst s10  }
0x32: {  	s10 =	sld [smem:$0x3FB6];
	_ =	sdelay $0x3  }
0x33: {  	p0 =	seq.s32 s10, $0x1;
	s10 =	sld [smem:$0x3FB8];
	_ =	sdelay $0x3  }
0x34: {  	[smem:$0x3FB8] =	sst s10  }
0x35: {  	s10 =	sld [smem:$0x3FB7];
	_ =	sdelay $0x3  }
0x36: {  	p1 =	seq.s32 s10, $0x1;
	s10 =	sld [smem:$0x3FB8];
	_ =	sdelay $0x3  }
0x37: {  	[smem:$0x3FB8] =	sst s10  }
0x38: {  	s10 =	sld [smem:$0x3FB9]  }
0x39: {  	_ = 	snop;
	(pc) =	sbr.ind lr, $3  }
0x3a: {  	_ = 	snop  }
0x3b: {  	_ = 	snop  }
0x3c: {  	p2 =	seq.s32 s10, $0x1;
	s10 =	sld [smem:$0x3FB8]  }
0x3d: {  	_ =	shalt  }
0x3e: {  	_ =	shalt  }
0x3f: {  	_ =	shalt  }
0x40: {  	_ =	shalt  }
0x41: {  	_ =	shalt  }
0x42: {  	_ =	shalt  }
0x43: {  	_ =	shalt  }
0x44: {  	_ =	shalt  }
0x45: {  	_ =	shalt  }
0x46: {  	_ =	shalt  }
0x47: {  	_ =	shalt  }
0x48: {  	_ =	shalt  }
0x49: {  	_ =	shalt  }
0x4a: {  	_ =	shalt  }
0x4b: {  	_ =	shalt  }
0x4c: {  	_ =	shalt  }
0x4d: {  	_ =	shalt  }
0x4e: {  	_ =	shalt  }
0x4f: {  	_ =	shalt  }
0x50: {  	_ =	shalt  }
0x51: {  	_ =	shalt  }
0x52: {  	_ =	shalt  }
0x53: {  	_ =	shalt  }
0x54: {  	_ =	shalt  }
0x55: {  	_ =	shalt  }
0x56: {  	_ =	shalt  }
0x57: {  	_ =	shalt  }
0x58: {  	_ =	shalt  }
0x59: {  	_ =	shalt  }
0x5a: {  	_ =	shalt  }
0x5b: {  	_ =	shalt  }
0x5c: {  	_ =	shalt  }
0x5d: {  	_ =	shalt  }
0x5e: {  	_ =	shalt  }
0x5f: {  	_ =	shalt  }
0x60: {  	_ =	shalt  }
0x61: {  	_ =	shalt  }
0x62: {  	_ =	shalt  }
0x63: {  	_ =	shalt  }
0x64: {  	_ =	shalt  }
0x65: {  	_ =	shalt  }
0x66: {  	_ =	shalt  }
0x67: {  	_ =	shalt  }
0x68: {  	_ =	shalt  }
0x69: {  	_ =	shalt  }
0x6a: {  	_ =	shalt  }
0x6b: {  	_ =	shalt  }
0x6c: {  	_ =	shalt  }
0x6d: {  	_ =	shalt  }
0x6e: {  	_ =	shalt  }
0x6f: {  	_ =	shalt  }
0x70: {  	_ =	shalt  }
0x71: {  	_ =	shalt  }
0x72: {  	_ =	shalt  }
0x73: {  	_ =	shalt  }
0x74: {  	_ =	shalt  }
0x75: {  	_ =	shalt  }
0x76: {  	_ =	shalt  }
0x77: {  	_ =	shalt  }
0x78: {  	_ =	shalt  }
0x79: {  	_ =	shalt  }
0x7a: {  	_ =	shalt  }
0x7b: {  	_ =	shalt  }
0x7c: {  	_ =	shalt  }
0x7d: {  	_ =	shalt  }
0x7e: {  	_ =	shalt  }
0x7f: {  	_ =	shalt  }
0x80: {  	_ =	shalt  }
0x81: {  	_ =	shalt  }
0x82: {  	_ =	shalt  }
0x83: {  	_ =	shalt  }
0x84: {  	_ =	shalt  }
0x85: {  	_ =	shalt  }
0x86: {  	_ =	shalt  }
0x87: {  	_ =	shalt  }
.Lfunc_end0:
.L_simem_size_0:
called_computation_lowered:
.L_overlay_start_0:
0x88: {  	s2 =	sld [smem:$0x3FD9]  }
0x89: {  	s3 =	sld [smem:$0x3FFE];
	_ =	sdelay $0x1  }
0x8a: {  	s1 =	srdreg.scid  }
0x8b: {  	s0 =	sand.u32 $0x1, s1  }
0x8c: {  	s17 =	sshll.u32 s0, $0xA;
	s2 =	sadd.s32 s3, s2  }
0x8d: {  	s2 =	sadd.s32 s2, s17  }
0x8e: {  	[smem:$0x3FC4] =	sst s2  }
0x8f: {  	_ = 	snop  }
0x90: {  	s2 =	sld [smem:$0x3FD0];
	(tm) =	ssettm $0x1  }
0x91: {  	s18 =	sld [smem:$0x3FFB];
	_ =	sdelay $0x3  }
0x92: {  	_ =	strace s18  }
0x93: {  	s3 =	sld [smem:$0x3FFC];
	_ =	sdelay $0x3  }
0x94: {  	_ =	strace s3  }
0x95: {  	s3 =	sld [smem:$0x3FFD];
	_ =	sdelay $0x3  }
0x96: {  	_ =	strace s3  }
0x97: {  	_ =	strace $0x8FFFFFFF  }
0x98: {  	s19 =	sld [smem:$0x3FDB];
	_ =	sdelay $0x1  }
0x99: {  	s4 =	simm.s32 $_scs_section_size  }
0x9a: {  	s5 =	simm.s32 $_size__tile_overlayer_lowered;
	s6 =	simm.s32 $_tile_overlayer_lowered  }
0x9b: {  	s22 =	simm.s32 $0x1BFF;
	s21 =	sshll.u32 s6, $0x1;
	s3 =	sadd.s32 s4, s19  }
0x9c: {  	s7 =	simm.s32 $0x0;
	s20 =	sshll.u32 s5, $0x1;
	s5 =	sadd.s32 s21, s3  }
0x9d: {  	[timem:s7], [sflag:s22] =	dma.local [hbm:s5], s20  }
0x9e: {  	_ =	swait.ge [sflag:s22], s20  }
0x9f: {  	s4 =	ssub.s32 $0x0, s20;
	[sflag:s22] =	ssyncset.done $0x0  }
0xa0: {  	[sflag:s22] =	ssyncadd.s32 s4;
	_ =	sdelay $0x1  }
0xa1: {  	s23 =	simm.s32 $0x1B8B  }
0xa2: {  	_ =	swait.ge [sflag:s23], $0x1  }
0xa3: {  	[sflag:s23] =	ssyncset.done $0x0  }
0xa4: {  	s25 =	simm.s32 $0x1B8E;
	s24 =	sld [smem:$0x3FFE];
	[sflag:s23] =	ssyncadd.s32 $0xFFFFFFFF  }
0xa5: {  	s26 =	simm.s32 $execute0_lowered;
	[smem:$0x3FD2] =	sst s25  }
0xa6: {  	s5 =	sshll.u32 s26, $0x1;
	_ =	strace $0x80000046;
	[dreg:$0x1] =	wrdreg $0xFFFFFFFF  }
0xa7: {  	s28 =	simm.s32 $_size_execute0_lowered;
	s3 =	sadd.s32 s3, s5;
	[dreg:$0x0] =	wrdreg $0x0  }
0xa8: {  	s5 =	sshll.u32 s28, $0x1;
	[dreg:$0x2] =	wrdreg s3  }
0xa9: {  	[dreg:$0x3] =	wrdreg s5  }
0xaa: {  	[dreg:$0x4] =	wrdreg $0xC0  }
0xab: {  	_ =	task [dreg:s7], $0x5FFFF  }
0xac: {  	[dreg:$0x1] =	wrdreg $0xFFFFFFFF  }
0xad: {  	[dreg:$0x0] =	wrdreg $0x60  }
0xae: {  	[dreg:$0x2] =	wrdreg s24  }
0xaf: {  	[dreg:$0x3] =	wrdreg s2  }
0xb0: {  	[dreg:$0x4] =	wrdreg $0x9  }
0xb1: {  	_ =	task.clear_ibuf [dreg:s7], $0x5FFFF;
	_ =	strace $0x90000046  }
0xb2: {  	s29 =	simm.s32 $0x9;
	_ =	strace $0x80000048  }
0xb3: {  	_ =	swait.ge [sflag:s29], $0x1  }
0xb4: {  	[sflag:s29] =	ssyncadd.s32 $0xFFFFFFFF  }
0xb5: {  	_ =	strace $0x90000048  }
0xb6: {  	_ =	sfence  }
0xb7: {  	s30 =	sld [smem:$0x0];
	_ =	sdelay $0x2  }
0xb8: {  	s31 =	sshll.u32 s1, $0xD;
	s1 =	sshrl.u32 s1, $0x2  }
0xb9: {  	s3 =	sand.u32 $0x4000, s31;
	s1 =	sadd.s32 s1, s30  }
0xba: {  	s0 =	sor.u32 s3, s0;
	s1 =	sshll.u32 s1, $0x11  }
0xbb: {  	s0 =	sor.u32 s1, s0  }
0xbc: {  	s0 =	sadd.s32 $0x8F2B, s0  }
0xbd: {  	[sflag:s0] =	ssyncadd.remote.s32 $0x1  }
0xbe: {  	_ =	sfence.sel $0xFFFF  }
0xbf: {  	[dreg:$0x0] =	wrdreg $0xFFFFFFFF;
	(pc) =	sbr.abs _section_cstart, $3  }
0xc0: {  	[dreg:$0x1] =	wrdreg $0xFFFFFFFF  }
0xc1: {  	_ =	task.clear_ibuf [dreg:s7], $0x2FFFF;
	_ =	strace $0x9FFFFFFF  }
0xc2: {  	(tm) =	ssettm $0x7FFFFFFF  }
0xc3: {  	_ =	shalt  }
tec
execute0_lowered:
.L_overlay_start_1:
0x0: {  	(tag) =	ssettag $0x1  }
0x1: {  	s0 =	rddreg [dreg:$0x0]  }
0x2: {  	s3 =	rddreg [dreg:$0x1];
	s2 =	simm.s32 $0x0  }
0x3: {  	[smem:$0x7FF] =	sst s2;
	s6 =	sadd.s32 $0x62400, s0  }
0x4: {  	s8 =	simm.s32 $0x280;
	_ =	strace $0x80000047;
	[dreg:$0x3] =	wrdreg s6  }
0x5: {  	s9 =	simm.s32 $0xB80;
	[dreg:$0xa] =	wrdreg s8  }
0x6: {  	s10 =	simm.s32 $0xF80;
	[dreg:$0xb] =	wrdreg s9  }
0x7: {  	s11 =	simm.s32 $0x1780;
	[dreg:$0xc] =	wrdreg s10  }
0x8: {  	s12 =	simm.s32 $0x1B80;
	[dreg:$0xd] =	wrdreg s11  }
0x9: {  	s13 =	simm.s32 $0x2380;
	[dreg:$0xe] =	wrdreg s12  }
0xa: {  	s14 =	simm.s32 $0x2780;
	[dreg:$0xf] =	wrdreg s13  }
0xb: {  	s15 =	simm.s32 $0x2F80;
	[dreg:$0x10] =	wrdreg s14  }
0xc: {  	s16 =	simm.s32 $0x3380;
	[dreg:$0x11] =	wrdreg s15  }
0xd: {  	s17 =	simm.s32 $0x3B80;
	[dreg:$0x12] =	wrdreg s16  }
0xe: {  	s18 =	simm.s32 $0x3F80;
	[dreg:$0x13] =	wrdreg s17  }
0xf: {  	s19 =	simm.s32 $0x4780;
	[dreg:$0x14] =	wrdreg s18  }
0x10: {  	s20 =	simm.s32 $0x4B80;
	[dreg:$0x15] =	wrdreg s19  }
0x11: {  	s21 =	simm.s32 $0x5380;
	[dreg:$0x16] =	wrdreg s20  }
0x12: {  	s22 =	simm.s32 $0x5780;
	[dreg:$0x17] =	wrdreg s21  }
0x13: {  	s23 =	simm.s32 $0x5F80;
	[dreg:$0x18] =	wrdreg s22  }
0x14: {  	s6 =	simm.s32 $0x80;
	[dreg:$0x19] =	wrdreg s23  }
0x15: {  	s8 =	simm.s32 $0x8F80;
	[dreg:$0x8] =	wrdreg s6  }
0x16: {  	s4 =	srdreg.scid;
	s9 =	simm.s32 $0x9380;
	[smem:$0x7EC] =	sst s8  }
0x17: {  	s1 =	stileid.u32;
	s10 =	simm.s32 $0x9B80;
	[smem:$0x7ED] =	sst s9  }
0x18: {  	s28 =	simm.s32 $0x16780;
	s11 =	simm.s32 $0x9F80;
	[smem:$0x7EE] =	sst s10  }
0x19: {  	s29 =	simm.s32 $0x16B80;
	s12 =	simm.s32 $0xA780;
	[smem:$0x7EF] =	sst s11  }
0x1a: {  	s30 =	simm.s32 $0x17380;
	s13 =	simm.s32 $0xAB80;
	[smem:$0x7F0] =	sst s12  }
0x1b: {  	s31 =	simm.s32 $0x17780;
	s14 =	simm.s32 $0xB380;
	[smem:$0x7F1] =	sst s13  }
0x1c: {  	s4 =	sand.u32 $0x1, s4;
	s15 =	simm.s32 $0xB780;
	[smem:$0x7F2] =	sst s14  }
0x1d: {  	s5 =	sshll.u32 s1, $0x1;
	s16 =	simm.s32 $0xBF80;
	[smem:$0x7F3] =	sst s15  }
0x1e: {  	s5 =	sor.u32 s4, s5;
	s17 =	simm.s32 $0xC380;
	[smem:$0x7F4] =	sst s16  }
0x1f: {  	s4 =	ssub.s32 $0x2, s4;
	s18 =	simm.s32 $0xCB80;
	[smem:$0x7F5] =	sst s17  }
0x20: {  	s20 =	simm.s32 $0xCF80;
	s21 =	simm.s32 $0xD780;
	[smem:$0x7F6] =	sst s18  }
0x21: {  	s22 =	simm.s32 $0xDB80;
	s23 =	simm.s32 $0xE380;
	[smem:$0x7F7] =	sst s20  }
0x22: {  	s7 =	smul.u32 $0x3000, s5;
	s5 =	sshll.u32 s5, $0x5;
	[smem:$0x7F8] =	sst s21  }
0x23: {  	s6 =	simm.s32 $0x8380;
	s19 =	sshrl.u32 s4, $0x1;
	[smem:$0x7F9] =	sst s22  }
0x24: {  	[smem:$0x7FA] =	sst s23;
	s8 =	simm.s32 $0x1;
	s10 =	simm.s32 $0xFF80  }
0x25: {  	s11 =	simm.s32 $0x10780;
	s12 =	simm.s32 $0x10B80;
	s13 =	simm.s32 $0x11380  }
0x26: {  	s14 =	simm.s32 $0x11780;
	s15 =	simm.s32 $0x11F80;
	s16 =	simm.s32 $0x12380  }
0x27: {  	s17 =	simm.s32 $0x12B80;
	s18 =	simm.s32 $0x12F80;
	s20 =	simm.s32 $0x13B80  }
0x28: {  	s24 =	sadd.s32 s5, s0;
	s3 =	sadd.s32 s3, s5;
	[dreg:$0x1f] =	wrdreg s6  }
0x29: {  	s21 =	simm.s32 $0x14380;
	[dreg:$0x4] =	wrdreg s3;
	s26 =	sadd.s32 $0x62000, s24  }
0x2a: {  	s22 =	simm.s32 $0x14780;
	s5 =	sadd.s32 $0xC2600, s24;
	[dreg:$0x5] =	wrdreg s26  }
0x2b: {  	s25 =	sadd.s32 s7, s0;
	s7 =	simm.s32 $0x180;
	[dreg:$0x7] =	wrdreg s5  }
0x2c: {  	s23 =	simm.s32 $0x14F80;
	s24 =	simm.s32 $0x6380;
	[dreg:$0x9] =	wrdreg s7  }
0x2d: {  	s6 =	ssub.s32 s4, s19;
	s1 =	sadd.s32 $0x2000, s25;
	[dreg:$0x1a] =	wrdreg s24  }
0x2e: {  	s4 =	sadd.s32 $0x62700, s0;
	s25 =	simm.s32 $0x6B80;
	[dreg:$0x6] =	wrdreg s1  }
0x2f: {  	s19 =	simm.s32 $0x13780;
	s26 =	simm.s32 $0x6F80;
	[dreg:$0x1b] =	wrdreg s25  }
0x30: {  	s3 =	sadd.s32 $0x62600, s0;
	s5 =	simm.s32 $0x7B80;
	[dreg:$0x1c] =	wrdreg s26  }
0x31: {  	s0 =	simm.s32 $0x17F80;
	s7 =	simm.s32 $0x8780;
	[dreg:$0x1e] =	wrdreg s5  }
0x32: {  	s24 =	simm.s32 $0xE780;
	s1 =	simm.s32 $0x7780;
	[smem:$0x7EB] =	sst s7  }
0x33: {  	s5 =	smax.u32 s6, $0x1;
	s6 =	simm.s32 $0x2;
	[smem:$0x7FB] =	sst s24  }
0x34: {  	v2 =	vlaneseq.u32;
	s7 =	simm.s32 $0x380;
	s25 =	simm.s32 $0xEF80;
	[dreg:$0x1d] =	wrdreg s1  }
0x35: {  	vm0 =	vmmov $0xffff;
	vm1 =	vmmov $0xff;
	v1 =	vshrl.u32 v2, $0x3;
	s26 =	simm.s32 $0xF380;
	s24 =	simm.s32 $0x15380;
	[smem:$0x7FC] =	sst s25  }
0x36: {  	v0 =	vand.u32 $0x7, v2;
	v2 =	vor.u32 $0x8, v2;
	v1 =	vmul.u32 $0x8, v1;
	[smem:$0x7FD] =	sst s26;
	s25 =	simm.s32 $0x15B80;
	s26 =	simm.s32 $0x15F80  }
.LBB2_1:
0x37: {  	s1 =	rddreg [dreg:$0x3]  }
0x38: {  	[tilespmem:s2], [sflag:$0x2] =	stream.linear.gather [hbm4b:s1+s2], $0x80, $0x38;
	[tilespmem:$0x18380] =	vst v63  }
0x39: {  	_ =	swait.ge [sflag:s6], $0x80  }
0x3a: {  	s1 =	rddreg [dreg:$0x4];
	[sflag:s6] =	ssyncset.done $0x0  }
0x3b: {  	s9 =	rddreg [dreg:$0x8];
	[sflag:s6] =	ssyncadd.s32 $0xFFFFFF80  }
0x3c: {  	[tilespmem:s9], [sflag:$0x2] =	stream.linear.gather [hbm4b:s1+s2], $0x100, $0x38;
	[tilespmem:$0x18380] =	vst v63  }
0x3d: {  	_ =	swait.ge [sflag:s6], $0x100  }
0x3e: {  	s1 =	rddreg [dreg:$0x5];
	[sflag:s6] =	ssyncset.done $0x0  }
0x3f: {  	s9 =	rddreg [dreg:$0x9];
	[sflag:s6] =	ssyncadd.s32 $0xFFFFFF00  }
0x40: {  	[tilespmem:s9], [sflag:$0x2] =	stream.linear.gather [hbm4b:s1+s2], $0x100, $0x38;
	[tilespmem:$0x18380] =	vst v63  }
0x41: {  	_ =	swait.ge [sflag:s6], $0x100  }
0x42: {  	[sflag:s6] =	ssyncset.done $0x0  }
0x43: {  	s9 =	rddreg [dreg:$0x6];
	[sflag:s6] =	ssyncadd.s32 $0xFFFFFF00  }
0x44: {  	[tilespmem:s7], [sflag:$0x2] =	stream.linear.gather [hbm4b:s9+s2], $0x18000, $0x38;
	[tilespmem:$0x18380] =	vst v63  }
0x45: {  	_ =	swait.ge [sflag:s6], $0x18000  }
0x46: {  	[sflag:s6] =	ssyncset.done $0x0  }
0x47: {  	[sflag:s6] =	ssyncadd.s32 $0xFFFE8000  }
0x48: {  	v3 =	vld [tilespmem:$0x80];
	_ =	sdelay $0x4  }
0x49: {  	vm2 =	vgt.s32 v3, $0x0  }
0x4a: {  	v3 =	vnsel vm2, $0x0, v3  }
0x4b: {  	v3 =	vmin.u32 v3, $0xF;
	_ =	sdelay $0x2  }
0x4c: {  	v4 =	vld [tilespmem:$0x90]  }
0x4d: {  	v5 =	vld [tilespmem:$0x180]  }
0x4e: {  	v3 =	vld.idx.msk [tilespmem:v3+s2+$0x0], $0xffff;
	_ =	sdelay $0x2  }
0x4f: {  	vm2 =	vgt.s32 v4, $0x0  }
0x50: {  	v4 =	vnsel vm2, $0x0, v4  }
0x51: {  	v4 =	vmin.u32 v4, $0xF;
	v3 =	vadd.s32 v5, v3  }
0x52: {  	vm2 =	vgt.s32 v3, $0x0  }
0x53: {  	v3 =	vnsel vm2, $0x0, v3  }
0x54: {  	v20 =	vld [tilespmem:$0xA0];
	v3 =	vmin.u32 v3, $0x1FFF  }
0x55: {  	[tilespmem:$0x280] =	vst v3;
	v3 =	vld [tilespmem:$0x190]  }
0x56: {  	v4 =	vld.idx.msk [tilespmem:v4+s2+$0x0], $0xffff;
	_ =	sdelay $0x2  }
0x57: {  	vm2 =	vgt.s32 v20, $0x0  }
0x58: {  	v5 =	vnsel vm2, $0x0, v20  }
0x59: {  	v21 =	vmin.u32 v5, $0xF;
	v3 =	vadd.s32 v3, v4  }
0x5a: {  	vm2 =	vgt.s32 v3, $0x0  }
0x5b: {  	v3 =	vnsel vm2, $0x0, v3  }
0x5c: {  	v22 =	vld [tilespmem:$0xB0];
	v3 =	vmin.u32 v3, $0x1FFF  }
0x5d: {  	[tilespmem:$0x290] =	vst v3;
	v3 =	vld [tilespmem:$0x1A0]  }
0x5e: {  	v4 =	vld.idx.msk [tilespmem:v21+s2+$0x0], $0xffff;
	_ =	sdelay $0x2  }
0x5f: {  	vm2 =	vgt.s32 v22, $0x0  }
0x60: {  	v5 =	vnsel vm2, $0x0, v22  }
0x61: {  	v23 =	vmin.u32 v5, $0xF;
	v3 =	vadd.s32 v3, v4  }
0x62: {  	vm2 =	vgt.s32 v3, $0x0  }
0x63: {  	v3 =	vnsel vm2, $0x0, v3  }
0x64: {  	v24 =	vld [tilespmem:$0xC0];
	v3 =	vmin.u32 v3, $0x1FFF  }
0x65: {  	[tilespmem:$0x2A0] =	vst v3;
	v3 =	vld [tilespmem:$0x1B0]  }
0x66: {  	v4 =	vld.idx.msk [tilespmem:v23+s2+$0x0], $0xffff;
	_ =	sdelay $0x2  }
0x67: {  	vm2 =	vgt.s32 v24, $0x0  }
0x68: {  	v5 =	vnsel vm2, $0x0, v24  }
0x69: {  	v25 =	vmin.u32 v5, $0xF;
	v3 =	vadd.s32 v3, v4  }
0x6a: {  	vm2 =	vgt.s32 v3, $0x0  }
0x6b: {  	v3 =	vnsel vm2, $0x0, v3  }
0x6c: {  	v26 =	vld [tilespmem:$0xD0];
	v3 =	vmin.u32 v3, $0x1FFF  }
0x6d: {  	[tilespmem:$0x2B0] =	vst v3;
	v3 =	vld [tilespmem:$0x1C0]  }
0x6e: {  	v4 =	vld.idx.msk [tilespmem:v25+s2+$0x0], $0xffff;
	_ =	sdelay $0x2  }
0x6f: {  	vm2 =	vgt.s32 v26, $0x0  }
0x70: {  	v5 =	vnsel vm2, $0x0, v26  }
0x71: {  	v27 =	vmin.u32 v5, $0xF;
	v3 =	vadd.s32 v3, v4  }
0x72: {  	vm2 =	vgt.s32 v3, $0x0  }
0x73: {  	v3 =	vnsel vm2, $0x0, v3  }
0x74: {  	v28 =	vld [tilespmem:$0xE0];
	v3 =	vmin.u32 v3, $0x1FFF  }
0x75: {  	[tilespmem:$0x2C0] =	vst v3;
	v3 =	vld [tilespmem:$0x1D0]  }
0x76: {  	v4 =	vld.idx.msk [tilespmem:v27+s2+$0x0], $0xffff;
	_ =	sdelay $0x2  }
0x77: {  	vm2 =	vgt.s32 v28, $0x0  }
0x78: {  	v5 =	vnsel vm2, $0x0, v28  }
0x79: {  	v29 =	vmin.u32 v5, $0xF;
	v3 =	vadd.s32 v3, v4  }
0x7a: {  	vm2 =	vgt.s32 v3, $0x0  }
0x7b: {  	v3 =	vnsel vm2, $0x0, v3  }
0x7c: {  	v30 =	vld [tilespmem:$0xF0];
	v3 =	vmin.u32 v3, $0x1FFF  }
0x7d: {  	[tilespmem:$0x2D0] =	vst v3;
	v3 =	vld [tilespmem:$0x1E0]  }
0x7e: {  	v4 =	vld.idx.msk [tilespmem:v29+s2+$0x0], $0xffff;
	_ =	sdelay $0x2  }
0x7f: {  	vm2 =	vgt.s32 v30, $0x0  }
0x80: {  	v5 =	vnsel vm2, $0x0, v30  }
0x81: {  	v31 =	vmin.u32 v5, $0xF;
	v3 =	vadd.s32 v3, v4  }
0x82: {  	vm2 =	vgt.s32 v3, $0x0  }
0x83: {  	v3 =	vnsel vm2, $0x0, v3  }
0x84: {  	v32 =	vld [tilespmem:$0x100];
	v3 =	vmin.u32 v3, $0x1FFF  }
0x85: {  	[tilespmem:$0x2E0] =	vst v3;
	v3 =	vld [tilespmem:$0x1F0]  }
0x86: {  	v4 =	vld.idx.msk [tilespmem:v31+s2+$0x0], $0xffff;
	_ =	sdelay $0x2  }
0x87: {  	vm2 =	vgt.s32 v32, $0x0  }
0x88: {  	v5 =	vnsel vm2, $0x0, v32  }
0x89: {  	v33 =	vmin.u32 v5, $0xF;
	v3 =	vadd.s32 v3, v4  }
0x8a: {  	vm2 =	vgt.s32 v3, $0x0  }
0x8b: {  	v3 =	vnsel vm2, $0x0, v3  }
0x8c: {  	v34 =	vld [tilespmem:$0x110];
	v3 =	vmin.u32 v3, $0x1FFF  }
0x8d: {  	[tilespmem:$0x2F0] =	vst v3;
	v3 =	vld [tilespmem:$0x200]  }
0x8e: {  	v4 =	vld.idx.msk [tilespmem:v33+s2+$0x0], $0xffff;
	_ =	sdelay $0x2  }
0x8f: {  	vm2 =	vgt.s32 v34, $0x0  }
0x90: {  	v5 =	vnsel vm2, $0x0, v34  }
0x91: {  	v35 =	vmin.u32 v5, $0xF;
	v3 =	vadd.s32 v3, v4  }
0x92: {  	vm2 =	vgt.s32 v3, $0x0  }
0x93: {  	v3 =	vnsel vm2, $0x0, v3  }
0x94: {  	v36 =	vld [tilespmem:$0x120];
	v3 =	vmin.u32 v3, $0x1FFF  }
0x95: {  	[tilespmem:$0x300] =	vst v3;
	v3 =	vld [tilespmem:$0x210]  }
0x96: {  	v4 =	vld.idx.msk [tilespmem:v35+s2+$0x0], $0xffff;
	_ =	sdelay $0x2  }
0x97: {  	vm2 =	vgt.s32 v36, $0x0  }
0x98: {  	v5 =	vnsel vm2, $0x0, v36  }
0x99: {  	v37 =	vmin.u32 v5, $0xF;
	v3 =	vadd.s32 v3, v4  }
0x9a: {  	vm2 =	vgt.s32 v3, $0x0  }
0x9b: {  	v3 =	vnsel vm2, $0x0, v3  }
0x9c: {  	v38 =	vld [tilespmem:$0x130];
	v3 =	vmin.u32 v3, $0x1FFF  }
0x9d: {  	[tilespmem:$0x310] =	vst v3;
	v3 =	vld [tilespmem:$0x220]  }
0x9e: {  	v4 =	vld.idx.msk [tilespmem:v37+s2+$0x0], $0xffff;
	_ =	sdelay $0x2  }
0x9f: {  	vm2 =	vgt.s32 v38, $0x0  }
0xa0: {  	v5 =	vnsel vm2, $0x0, v38  }
0xa1: {  	v39 =	vmin.u32 v5, $0xF;
	v3 =	vadd.s32 v3, v4  }
0xa2: {  	vm2 =	vgt.s32 v3, $0x0  }
0xa3: {  	v3 =	vnsel vm2, $0x0, v3  }
0xa4: {  	v40 =	vld [tilespmem:$0x140];
	v3 =	vmin.u32 v3, $0x1FFF  }
0xa5: {  	[tilespmem:$0x320] =	vst v3;
	v3 =	vld [tilespmem:$0x230]  }
0xa6: {  	v4 =	vld.idx.msk [tilespmem:v39+s2+$0x0], $0xffff;
	_ =	sdelay $0x2  }
0xa7: {  	vm2 =	vgt.s32 v40, $0x0  }
0xa8: {  	v5 =	vnsel vm2, $0x0, v40  }
0xa9: {  	v41 =	vmin.u32 v5, $0xF;
	v3 =	vadd.s32 v3, v4  }
0xaa: {  	vm2 =	vgt.s32 v3, $0x0  }
0xab: {  	v3 =	vnsel vm2, $0x0, v3  }
0xac: {  	v42 =	vld [tilespmem:$0x150];
	v3 =	vmin.u32 v3, $0x1FFF  }
0xad: {  	[tilespmem:$0x330] =	vst v3;
	v3 =	vld [tilespmem:$0x240]  }
0xae: {  	v4 =	vld.idx.msk [tilespmem:v41+s2+$0x0], $0xffff;
	_ =	sdelay $0x2  }
0xaf: {  	vm2 =	vgt.s32 v42, $0x0  }
0xb0: {  	v5 =	vnsel vm2, $0x0, v42  }
0xb1: {  	v43 =	vmin.u32 v5, $0xF;
	v3 =	vadd.s32 v3, v4  }
0xb2: {  	vm2 =	vgt.s32 v3, $0x0  }
0xb3: {  	v3 =	vnsel vm2, $0x0, v3  }
0xb4: {  	v44 =	vld [tilespmem:$0x160];
	v3 =	vmin.u32 v3, $0x1FFF  }
0xb5: {  	[tilespmem:$0x340] =	vst v3;
	v3 =	vld [tilespmem:$0x250]  }
0xb6: {  	v4 =	vld.idx.msk [tilespmem:v43+s2+$0x0], $0xffff;
	_ =	sdelay $0x2  }
0xb7: {  	vm2 =	vgt.s32 v44, $0x0  }
0xb8: {  	v5 =	vnsel vm2, $0x0, v44  }
0xb9: {  	v45 =	vmin.u32 v5, $0xF;
	v3 =	vadd.s32 v3, v4  }
0xba: {  	vm2 =	vgt.s32 v3, $0x0  }
0xbb: {  	v3 =	vnsel vm2, $0x0, v3  }
0xbc: {  	v46 =	vld [tilespmem:$0x170];
	v3 =	vmin.u32 v3, $0x1FFF  }
0xbd: {  	[tilespmem:$0x350] =	vst v3;
	v3 =	vld [tilespmem:$0x260]  }
0xbe: {  	v4 =	vld.idx.msk [tilespmem:v45+s2+$0x0], $0xffff;
	_ =	sdelay $0x2  }
0xbf: {  	vm2 =	vgt.s32 v46, $0x0  }
0xc0: {  	v5 =	vnsel vm2, $0x0, v46  }
0xc1: {  	v47 =	vmin.u32 v5, $0xF;
	v3 =	vadd.s32 v3, v4  }
0xc2: {  	vm2 =	vgt.s32 v3, $0x0  }
0xc3: {  	v3 =	vnsel vm2, $0x0, v3  }
0xc4: {  	v3 =	vmin.u32 v3, $0x1FFF  }
0xc5: {  	[tilespmem:$0x360] =	vst v3;
	v3 =	vld [tilespmem:$0x270]  }
0xc6: {  	v4 =	vld.idx.msk [tilespmem:v47+s2+$0x0], $0xffff;
	_ =	sdelay $0x4  }
0xc7: {  	v3 =	vadd.s32 v3, v4  }
0xc8: {  	vm2 =	vgt.s32 v3, $0x0  }
0xc9: {  	v3 =	vnsel vm2, $0x0, v3  }
0xca: {  	s1 =	rddreg [dreg:$0x7];
	v3 =	vmin.u32 v3, $0x1FFF  }
0xcb: {  	s9 =	rddreg [dreg:$0xa];
	[tilespmem:$0x370] =	vst v3  }
0xcc: {  	[hbm4b:s1+s2] =	stream.linear.scatter [tilespmem:s9], [sflag:$0x2], $0x100, $0x38;
	[tilespmem:$0x18380] =	vst v63  }
0xcd: {  	_ =	swait.ge [sflag:s6], $0x100  }
0xce: {  	[sflag:s6] =	ssyncset.done $0x0  }
0xcf: {  	[sflag:s6] =	ssyncadd.s32 $0xFFFFFF00  }
0xd0: {  	v3 =	vld [tilespmem:$0x280];
	_ =	sdelay $0x4  }
0xd1: {  	v48 =	vshrl.u32 v3, $0x3  }
0xd2: {  	v4 =	vmul.u32 $0x18, v48  }
0xd3: {  	v3 =	vand.u32 $0x7, v3  }
0xd4: {  	v3 =	vor.u32 v3, v4  }
0xd5: {  	v4 =	vperm.xlane v3, v0;
	_ =	sdelay $0x1  }
0xd6: {  	v4 =	vadd.s32 v1, v4;
	_ =	sdelay $0x1  }
0xd7: {  	v3 =	vperm.xlane v3, v2;
	_ =	sdelay $0x1  }
0xd8: {  	v3 =	vadd.s32 v1, v3  }
0xd9: {  	[hbm4b:s3+s2] =	stream.indirect_vreg.scatter [tilespmem:s7], [sflag:$0x1], $0x80, v4, vm0, $0xb8;
	[tilespmem:$0x18380] =	vst v63  }
0xda: {  	s1 =	rddreg [dreg:$0xb]  }
0xdb: {  	[hbm4b:s4+s2] =	stream.indirect_vreg.scatter [tilespmem:s1], [sflag:$0x1], $0x80, v4, vm1, $0xb8;
	[tilespmem:$0x18380] =	vst v63  }
0xdc: {  	s9 =	rddreg [dreg:$0xc]  }
0xdd: {  	[hbm4b:s3+s2] =	stream.indirect_vreg.scatter [tilespmem:s9], [sflag:$0x1], $0x80, v3, vm0, $0xb8;
	[tilespmem:$0x18380] =	vst v63  }
0xde: {  	s1 =	rddreg [dreg:$0xd]  }
0xdf: {  	[hbm4b:s4+s2] =	stream.indirect_vreg.scatter [tilespmem:s1], [sflag:$0x1], $0x80, v3, vm1, $0xb8;
	[tilespmem:$0x18380] =	vst v63  }
0xe0: {  	v3 =	vld [tilespmem:$0x290];
	_ =	sdelay $0x4  }
0xe1: {  	v49 =	vshrl.u32 v3, $0x3  }
0xe2: {  	v4 =	vmul.u32 $0x18, v49  }
0xe3: {  	v3 =	vand.u32 $0x7, v3  }
0xe4: {  	v3 =	vor.u32 v3, v4  }
0xe5: {  	v4 =	vperm.xlane v3, v0;
	_ =	sdelay $0x1  }
0xe6: {  	v4 =	vadd.s32 v1, v4;
	_ =	sdelay $0x1  }
0xe7: {  	v3 =	vperm.xlane v3, v2;
	_ =	sdelay $0x1  }
0xe8: {  	s1 =	rddreg [dreg:$0xe];
	v3 =	vadd.s32 v1, v3  }
0xe9: {  	[hbm4b:s3+s2] =	stream.indirect_vreg.scatter [tilespmem:s1], [sflag:$0x1], $0x80, v4, vm0, $0xb8;
	[tilespmem:$0x18380] =	vst v63  }
0xea: {  	s9 =	rddreg [dreg:$0xf]  }
0xeb: {  	[hbm4b:s4+s2] =	stream.indirect_vreg.scatter [tilespmem:s9], [sflag:$0x1], $0x80, v4, vm1, $0xb8;
	[tilespmem:$0x18380] =	vst v63  }
0xec: {  	s1 =	rddreg [dreg:$0x10]  }
0xed: {  	[hbm4b:s3+s2] =	stream.indirect_vreg.scatter [tilespmem:s1], [sflag:$0x1], $0x80, v3, vm0, $0xb8;
	[tilespmem:$0x18380] =	vst v63  }
0xee: {  	s9 =	rddreg [dreg:$0x11]  }
0xef: {  	[hbm4b:s4+s2] =	stream.indirect_vreg.scatter [tilespmem:s9], [sflag:$0x1], $0x80, v3, vm1, $0xb8;
	[tilespmem:$0x18380] =	vst v63  }
0xf0: {  	v3 =	vld [tilespmem:$0x2A0];
	_ =	sdelay $0x4  }
0xf1: {  	v50 =	vshrl.u32 v3, $0x3  }
0xf2: {  	v4 =	vmul.u32 $0x18, v50  }
0xf3: {  	v3 =	vand.u32 $0x7, v3  }
0xf4: {  	v3 =	vor.u32 v3, v4  }
0xf5: {  	v4 =	vperm.xlane v3, v0;
	_ =	sdelay $0x1  }
0xf6: {  	v4 =	vadd.s32 v1, v4;
	_ =	sdelay $0x1  }
0xf7: {  	v3 =	vperm.xlane v3, v2;
	_ =	sdelay $0x1  }
0xf8: {  	s1 =	rddreg [dreg:$0x12];
	v3 =	vadd.s32 v1, v3  }
0xf9: {  	[hbm4b:s3+s2] =	stream.indirect_vreg.scatter [tilespmem:s1], [sflag:$0x1], $0x80, v4, vm0, $0xb8;
	[tilespmem:$0x18380] =	vst v63  }
0xfa: {  	s9 =	rddreg [dreg:$0x13]  }
0xfb: {  	[hbm4b:s4+s2] =	stream.indirect_vreg.scatter [tilespmem:s9], [sflag:$0x1], $0x80, v4, vm1, $0xb8;
	[tilespmem:$0x18380] =	vst v63  }
0xfc: {  	s1 =	rddreg [dreg:$0x14]  }
0xfd: {  	[hbm4b:s3+s2] =	stream.indirect_vreg.scatter [tilespmem:s1], [sflag:$0x1], $0x80, v3, vm0, $0xb8;
	[tilespmem:$0x18380] =	vst v63  }
0xfe: {  	s9 =	rddreg [dreg:$0x15]  }
0xff: {  	[hbm4b:s4+s2] =	stream.indirect_vreg.scatter [tilespmem:s9], [sflag:$0x1], $0x80, v3, vm1, $0xb8;
	[tilespmem:$0x18380] =	vst v63  }
0x100: {  	v3 =	vld [tilespmem:$0x2B0];
	_ =	sdelay $0x4  }
0x101: {  	v51 =	vshrl.u32 v3, $0x3  }
0x102: {  	v4 =	vmul.u32 $0x18, v51  }
0x103: {  	v3 =	vand.u32 $0x7, v3  }
0x104: {  	v3 =	vor.u32 v3, v4  }
0x105: {  	v4 =	vperm.xlane v3, v0;
	_ =	sdelay $0x1  }
0x106: {  	v4 =	vadd.s32 v1, v4;
	_ =	sdelay $0x1  }
0x107: {  	v3 =	vperm.xlane v3, v2;
	_ =	sdelay $0x1  }
0x108: {  	s1 =	rddreg [dreg:$0x16];
	v3 =	vadd.s32 v1, v3  }
0x109: {  	[hbm4b:s3+s2] =	stream.indirect_vreg.scatter [tilespmem:s1], [sflag:$0x1], $0x80, v4, vm0, $0xb8;
	[tilespmem:$0x18380] =	vst v63  }
0x10a: {  	s9 =	rddreg [dreg:$0x17]  }
0x10b: {  	[hbm4b:s4+s2] =	stream.indirect_vreg.scatter [tilespmem:s9], [sflag:$0x1], $0x80, v4, vm1, $0xb8;
	[tilespmem:$0x18380] =	vst v63  }
0x10c: {  	s1 =	rddreg [dreg:$0x18]  }
0x10d: {  	[hbm4b:s3+s2] =	stream.indirect_vreg.scatter [tilespmem:s1], [sflag:$0x1], $0x80, v3, vm0, $0xb8;
	[tilespmem:$0x18380] =	vst v63  }
0x10e: {  	s9 =	rddreg [dreg:$0x19]  }
0x10f: {  	[hbm4b:s4+s2] =	stream.indirect_vreg.scatter [tilespmem:s9], [sflag:$0x1], $0x80, v3, vm1, $0xb8;
	[tilespmem:$0x18380] =	vst v63  }
0x110: {  	v3 =	vld [tilespmem:$0x2C0];
	_ =	sdelay $0x4  }
0x111: {  	v52 =	vshrl.u32 v3, $0x3  }
0x112: {  	v4 =	vmul.u32 $0x18, v52  }
0x113: {  	v3 =	vand.u32 $0x7, v3  }
0x114: {  	v3 =	vor.u32 v3, v4  }
0x115: {  	v4 =	vperm.xlane v3, v0;
	_ =	sdelay $0x1  }
0x116: {  	v4 =	vadd.s32 v1, v4;
	_ =	sdelay $0x1  }
0x117: {  	v3 =	vperm.xlane v3, v2;
	_ =	sdelay $0x1  }
0x118: {  	s1 =	rddreg [dreg:$0x1a];
	v3 =	vadd.s32 v1, v3  }
0x119: {  	[hbm4b:s3+s2] =	stream.indirect_vreg.scatter [tilespmem:s1], [sflag:$0x1], $0x80, v4, vm0, $0xb8;
	[tilespmem:$0x18380] =	vst v63  }
0x11a: {  	s9 =	rddreg [dreg:$0x1b]  }
0x11b: {  	[hbm4b:s4+s2] =	stream.indirect_vreg.scatter [tilespmem:s9], [sflag:$0x1], $0x80, v4, vm1, $0xb8;
	[tilespmem:$0x18380] =	vst v63  }
0x11c: {  	s1 =	rddreg [dreg:$0x1c]  }
0x11d: {  	[hbm4b:s3+s2] =	stream.indirect_vreg.scatter [tilespmem:s1], [sflag:$0x1], $0x80, v3, vm0, $0xb8;
	[tilespmem:$0x18380] =	vst v63  }
0x11e: {  	s9 =	rddreg [dreg:$0x1d]  }
0x11f: {  	[hbm4b:s4+s2] =	stream.indirect_vreg.scatter [tilespmem:s9], [sflag:$0x1], $0x80, v3, vm1, $0xb8;
	[tilespmem:$0x18380] =	vst v63  }
0x120: {  	v3 =	vld [tilespmem:$0x2D0];
	_ =	sdelay $0x4  }
0x121: {  	v53 =	vshrl.u32 v3, $0x3  }
0x122: {  	v4 =	vmul.u32 $0x18, v53  }
0x123: {  	v3 =	vand.u32 $0x7, v3  }
0x124: {  	v3 =	vor.u32 v3, v4  }
0x125: {  	v4 =	vperm.xlane v3, v0;
	_ =	sdelay $0x1  }
0x126: {  	v4 =	vadd.s32 v1, v4;
	_ =	sdelay $0x1  }
0x127: {  	v3 =	vperm.xlane v3, v2  }
0x128: {  	s1 =	rddreg [dreg:$0x1e]  }
0x129: {  	s9 =	rddreg [dreg:$0x1f];
	v3 =	vadd.s32 v1, v3  }
0x12a: {  	[hbm4b:s3+s2] =	stream.indirect_vreg.scatter [tilespmem:s1], [sflag:$0x1], $0x80, v4, vm0, $0xb8;
	[tilespmem:$0x18380] =	vst v63  }
0x12b: {  	s1 =	sld [smem:$0x7EB]  }
0x12c: {  	[hbm4b:s4+s2] =	stream.indirect_vreg.scatter [tilespmem:s9], [sflag:$0x1], $0x80, v4, vm1, $0xb8;
	[tilespmem:$0x18380] =	vst v63  }
0x12d: {  	s9 =	sld [smem:$0x7EC]  }
0x12e: {  	[hbm4b:s3+s2] =	stream.indirect_vreg.scatter [tilespmem:s1], [sflag:$0x1], $0x80, v3, vm0, $0xb8;
	[tilespmem:$0x18380] =	vst v63  }
0x12f: {  	_ = 	snop  }
0x130: {  	[hbm4b:s4+s2] =	stream.indirect_vreg.scatter [tilespmem:s9], [sflag:$0x1], $0x80, v3, vm1, $0xb8;
	[tilespmem:$0x18380] =	vst v63  }
0x131: {  	v3 =	vld [tilespmem:$0x2E0];
	_ =	sdelay $0x4  }
0x132: {  	v54 =	vshrl.u32 v3, $0x3  }
0x133: {  	v4 =	vmul.u32 $0x18, v54  }
0x134: {  	v3 =	vand.u32 $0x7, v3  }
0x135: {  	v3 =	vor.u32 v3, v4  }
0x136: {  	v4 =	vperm.xlane v3, v0;
	_ =	sdelay $0x1  }
0x137: {  	v4 =	vadd.s32 v1, v4;
	_ =	sdelay $0x1  }
0x138: {  	s1 =	sld [smem:$0x7ED];
	v3 =	vperm.xlane v3, v2;
	_ =	sdelay $0x1  }
0x139: {  	s9 =	sld [smem:$0x7EE];
	v3 =	vadd.s32 v1, v3  }
0x13a: {  	[hbm4b:s3+s2] =	stream.indirect_vreg.scatter [tilespmem:s1], [sflag:$0x1], $0x80, v4, vm0, $0xb8;
	[tilespmem:$0x18380] =	vst v63  }
0x13b: {  	s1 =	sld [smem:$0x7EF]  }
0x13c: {  	[hbm4b:s4+s2] =	stream.indirect_vreg.scatter [tilespmem:s9], [sflag:$0x1], $0x80, v4, vm1, $0xb8;
	[tilespmem:$0x18380] =	vst v63  }
0x13d: {  	s9 =	sld [smem:$0x7F0]  }
0x13e: {  	[hbm4b:s3+s2] =	stream.indirect_vreg.scatter [tilespmem:s1], [sflag:$0x1], $0x80, v3, vm0, $0xb8;
	[tilespmem:$0x18380] =	vst v63  }
0x13f: {  	_ = 	snop  }
0x140: {  	[hbm4b:s4+s2] =	stream.indirect_vreg.scatter [tilespmem:s9], [sflag:$0x1], $0x80, v3, vm1, $0xb8;
	[tilespmem:$0x18380] =	vst v63  }
0x141: {  	v3 =	vld [tilespmem:$0x2F0];
	_ =	sdelay $0x4  }
0x142: {  	v55 =	vshrl.u32 v3, $0x3  }
0x143: {  	v4 =	vmul.u32 $0x18, v55  }
0x144: {  	v3 =	vand.u32 $0x7, v3  }
0x145: {  	v3 =	vor.u32 v3, v4  }
0x146: {  	v4 =	vperm.xlane v3, v0;
	_ =	sdelay $0x1  }
0x147: {  	v4 =	vadd.s32 v1, v4;
	_ =	sdelay $0x1  }
0x148: {  	s1 =	sld [smem:$0x7F1];
	v3 =	vperm.xlane v3, v2;
	_ =	sdelay $0x1  }
0x149: {  	s9 =	sld [smem:$0x7F2];
	v3 =	vadd.s32 v1, v3  }
0x14a: {  	[hbm4b:s3+s2] =	stream.indirect_vreg.scatter [tilespmem:s1], [sflag:$0x1], $0x80, v4, vm0, $0xb8;
	[tilespmem:$0x18380] =	vst v63  }
0x14b: {  	s1 =	sld [smem:$0x7F3]  }
0x14c: {  	[hbm4b:s4+s2] =	stream.indirect_vreg.scatter [tilespmem:s9], [sflag:$0x1], $0x80, v4, vm1, $0xb8;
	[tilespmem:$0x18380] =	vst v63  }
0x14d: {  	s9 =	sld [smem:$0x7F4]  }
0x14e: {  	[hbm4b:s3+s2] =	stream.indirect_vreg.scatter [tilespmem:s1], [sflag:$0x1], $0x80, v3, vm0, $0xb8;
	[tilespmem:$0x18380] =	vst v63  }
0x14f: {  	_ = 	snop  }
0x150: {  	[hbm4b:s4+s2] =	stream.indirect_vreg.scatter [tilespmem:s9], [sflag:$0x1], $0x80, v3, vm1, $0xb8;
	[tilespmem:$0x18380] =	vst v63  }
0x151: {  	_ =	swait.ge [sflag:s8], $0xC000  }
0x152: {  	[sflag:s8] =	ssyncset.done $0x0  }
0x153: {  	[sflag:s8] =	ssyncadd.s32 $0xFFFF4000  }
0x154: {  	v3 =	vld [tilespmem:$0x300];
	_ =	sdelay $0x4  }
0x155: {  	v56 =	vshrl.u32 v3, $0x3  }
0x156: {  	v4 =	vmul.u32 $0x18, v56  }
0x157: {  	v3 =	vand.u32 $0x7, v3  }
0x158: {  	v3 =	vor.u32 v3, v4  }
0x159: {  	v4 =	vperm.xlane v3, v0;
	_ =	sdelay $0x1  }
0x15a: {  	v4 =	vadd.s32 v1, v4;
	_ =	sdelay $0x1  }
0x15b: {  	s1 =	sld [smem:$0x7F5];
	v3 =	vperm.xlane v3, v2;
	_ =	sdelay $0x1  }
0x15c: {  	s9 =	sld [smem:$0x7F6];
	v3 =	vadd.s32 v1, v3  }
0x15d: {  	[hbm4b:s3+s2] =	stream.indirect_vreg.scatter [tilespmem:s1], [sflag:$0x1], $0x80, v4, vm0, $0xb8;
	[tilespmem:$0x18380] =	vst v63  }
0x15e: {  	s1 =	sld [smem:$0x7F7]  }
0x15f: {  	[hbm4b:s4+s2] =	stream.indirect_vreg.scatter [tilespmem:s9], [sflag:$0x1], $0x80, v4, vm1, $0xb8;
	[tilespmem:$0x18380] =	vst v63  }
0x160: {  	s9 =	sld [smem:$0x7F8]  }
0x161: {  	[hbm4b:s3+s2] =	stream.indirect_vreg.scatter [tilespmem:s1], [sflag:$0x1], $0x80, v3, vm0, $0xb8;
	[tilespmem:$0x18380] =	vst v63  }
0x162: {  	_ = 	snop  }
0x163: {  	[hbm4b:s4+s2] =	stream.indirect_vreg.scatter [tilespmem:s9], [sflag:$0x1], $0x80, v3, vm1, $0xb8;
	[tilespmem:$0x18380] =	vst v63  }
0x164: {  	v3 =	vld [tilespmem:$0x310];
	_ =	sdelay $0x4  }
0x165: {  	v57 =	vshrl.u32 v3, $0x3  }
0x166: {  	v4 =	vmul.u32 $0x18, v57  }
0x167: {  	v3 =	vand.u32 $0x7, v3  }
0x168: {  	v3 =	vor.u32 v3, v4  }
0x169: {  	v4 =	vperm.xlane v3, v0;
	_ =	sdelay $0x1  }
0x16a: {  	v4 =	vadd.s32 v1, v4;
	_ =	sdelay $0x1  }
0x16b: {  	s1 =	sld [smem:$0x7F9];
	v3 =	vperm.xlane v3, v2;
	_ =	sdelay $0x1  }
0x16c: {  	s9 =	sld [smem:$0x7FA];
	v3 =	vadd.s32 v1, v3  }
0x16d: {  	[hbm4b:s3+s2] =	stream.indirect_vreg.scatter [tilespmem:s1], [sflag:$0x1], $0x80, v4, vm0, $0xb8;
	[tilespmem:$0x18380] =	vst v63  }
0x16e: {  	s1 =	sld [smem:$0x7FB]  }
0x16f: {  	[hbm4b:s4+s2] =	stream.indirect_vreg.scatter [tilespmem:s9], [sflag:$0x1], $0x80, v4, vm1, $0xb8;
	[tilespmem:$0x18380] =	vst v63  }
0x170: {  	s9 =	sld [smem:$0x7FC]  }
0x171: {  	[hbm4b:s3+s2] =	stream.indirect_vreg.scatter [tilespmem:s1], [sflag:$0x1], $0x80, v3, vm0, $0xb8;
	[tilespmem:$0x18380] =	vst v63  }
0x172: {  	_ = 	snop  }
0x173: {  	[hbm4b:s4+s2] =	stream.indirect_vreg.scatter [tilespmem:s9], [sflag:$0x1], $0x80, v3, vm1, $0xb8;
	[tilespmem:$0x18380] =	vst v63  }
0x174: {  	v3 =	vld [tilespmem:$0x320];
	_ =	sdelay $0x4  }
0x175: {  	v58 =	vshrl.u32 v3, $0x3  }
0x176: {  	v4 =	vmul.u32 $0x18, v58  }
0x177: {  	v3 =	vand.u32 $0x7, v3  }
0x178: {  	v3 =	vor.u32 v3, v4  }
0x179: {  	v4 =	vperm.xlane v3, v0;
	_ =	sdelay $0x1  }
0x17a: {  	v4 =	vadd.s32 v1, v4;
	_ =	sdelay $0x1  }
0x17b: {  	s9 =	sld [smem:$0x7FD];
	v3 =	vperm.xlane v3, v2;
	_ =	sdelay $0x1  }
0x17c: {  	v3 =	vadd.s32 v1, v3  }
0x17d: {  	[hbm4b:s3+s2] =	stream.indirect_vreg.scatter [tilespmem:s9], [sflag:$0x1], $0x80, v4, vm0, $0xb8;
	[tilespmem:$0x18380] =	vst v63  }
0x17e: {  	s9 =	simm.s32 $0xFB80  }
0x17f: {  	[hbm4b:s4+s2] =	stream.indirect_vreg.scatter [tilespmem:s9], [sflag:$0x1], $0x80, v4, vm1, $0xb8;
	[tilespmem:$0x18380] =	vst v63  }
0x180: {  	_ = 	snop  }
0x181: {  	[hbm4b:s3+s2] =	stream.indirect_vreg.scatter [tilespmem:s10], [sflag:$0x1], $0x80, v3, vm0, $0xb8;
	[tilespmem:$0x18380] =	vst v63  }
0x182: {  	_ = 	snop  }
0x183: {  	[hbm4b:s4+s2] =	stream.indirect_vreg.scatter [tilespmem:s11], [sflag:$0x1], $0x80, v3, vm1, $0xb8;
	[tilespmem:$0x18380] =	vst v63  }
0x184: {  	v3 =	vld [tilespmem:$0x330];
	_ =	sdelay $0x4  }
0x185: {  	v59 =	vshrl.u32 v3, $0x3  }
0x186: {  	v4 =	vmul.u32 $0x18, v59  }
0x187: {  	v3 =	vand.u32 $0x7, v3  }
0x188: {  	v3 =	vor.u32 v3, v4  }
0x189: {  	v4 =	vperm.xlane v3, v0;
	_ =	sdelay $0x1  }
0x18a: {  	v4 =	vadd.s32 v1, v4;
	_ =	sdelay $0x1  }
0x18b: {  	v3 =	vperm.xlane v3, v2;
	_ =	sdelay $0x1  }
0x18c: {  	v3 =	vadd.s32 v1, v3  }
0x18d: {  	[hbm4b:s3+s2] =	stream.indirect_vreg.scatter [tilespmem:s12], [sflag:$0x1], $0x80, v4, vm0, $0xb8;
	[tilespmem:$0x18380] =	vst v63  }
0x18e: {  	_ = 	snop  }
0x18f: {  	[hbm4b:s4+s2] =	stream.indirect_vreg.scatter [tilespmem:s13], [sflag:$0x1], $0x80, v4, vm1, $0xb8;
	[tilespmem:$0x18380] =	vst v63  }
0x190: {  	_ = 	snop  }
0x191: {  	[hbm4b:s3+s2] =	stream.indirect_vreg.scatter [tilespmem:s14], [sflag:$0x1], $0x80, v3, vm0, $0xb8;
	[tilespmem:$0x18380] =	vst v63  }
0x192: {  	_ = 	snop  }
0x193: {  	[hbm4b:s4+s2] =	stream.indirect_vreg.scatter [tilespmem:s15], [sflag:$0x1], $0x80, v3, vm1, $0xb8;
	[tilespmem:$0x18380] =	vst v63  }
0x194: {  	v3 =	vld [tilespmem:$0x340];
	_ =	sdelay $0x4  }
0x195: {  	v60 =	vshrl.u32 v3, $0x3  }
0x196: {  	v4 =	vmul.u32 $0x18, v60  }
0x197: {  	v3 =	vand.u32 $0x7, v3  }
0x198: {  	v3 =	vor.u32 v3, v4  }
0x199: {  	v4 =	vperm.xlane v3, v0;
	_ =	sdelay $0x1  }
0x19a: {  	v4 =	vadd.s32 v1, v4;
	_ =	sdelay $0x1  }
0x19b: {  	v3 =	vperm.xlane v3, v2;
	_ =	sdelay $0x1  }
0x19c: {  	v3 =	vadd.s32 v1, v3  }
0x19d: {  	[hbm4b:s3+s2] =	stream.indirect_vreg.scatter [tilespmem:s16], [sflag:$0x1], $0x80, v4, vm0, $0xb8;
	[tilespmem:$0x18380] =	vst v63  }
0x19e: {  	_ = 	snop  }
0x19f: {  	[hbm4b:s4+s2] =	stream.indirect_vreg.scatter [tilespmem:s17], [sflag:$0x1], $0x80, v4, vm1, $0xb8;
	[tilespmem:$0x18380] =	vst v63  }
0x1a0: {  	_ = 	snop  }
0x1a1: {  	[hbm4b:s3+s2] =	stream.indirect_vreg.scatter [tilespmem:s18], [sflag:$0x1], $0x80, v3, vm0, $0xb8;
	[tilespmem:$0x18380] =	vst v63  }
0x1a2: {  	_ = 	snop  }
0x1a3: {  	[hbm4b:s4+s2] =	stream.indirect_vreg.scatter [tilespmem:s19], [sflag:$0x1], $0x80, v3, vm1, $0xb8;
	[tilespmem:$0x18380] =	vst v63  }
0x1a4: {  	v3 =	vld [tilespmem:$0x350];
	_ =	sdelay $0x4  }
0x1a5: {  	v61 =	vshrl.u32 v3, $0x3  }
0x1a6: {  	v4 =	vmul.u32 $0x18, v61  }
0x1a7: {  	v3 =	vand.u32 $0x7, v3  }
0x1a8: {  	v3 =	vor.u32 v3, v4  }
0x1a9: {  	v4 =	vperm.xlane v3, v0;
	_ =	sdelay $0x1  }
0x1aa: {  	v4 =	vadd.s32 v1, v4;
	_ =	sdelay $0x1  }
0x1ab: {  	v3 =	vperm.xlane v3, v2;
	_ =	sdelay $0x1  }
0x1ac: {  	v3 =	vadd.s32 v1, v3  }
0x1ad: {  	[hbm4b:s3+s2] =	stream.indirect_vreg.scatter [tilespmem:s20], [sflag:$0x1], $0x80, v4, vm0, $0xb8;
	[tilespmem:$0x18380] =	vst v63  }
0x1ae: {  	_ = 	snop  }
0x1af: {  	[hbm4b:s4+s2] =	stream.indirect_vreg.scatter [tilespmem:s21], [sflag:$0x1], $0x80, v4, vm1, $0xb8;
	[tilespmem:$0x18380] =	vst v63  }
0x1b0: {  	_ = 	snop  }
0x1b1: {  	[hbm4b:s3+s2] =	stream.indirect_vreg.scatter [tilespmem:s22], [sflag:$0x1], $0x80, v3, vm0, $0xb8;
	[tilespmem:$0x18380] =	vst v63  }
0x1b2: {  	_ = 	snop  }
0x1b3: {  	[hbm4b:s4+s2] =	stream.indirect_vreg.scatter [tilespmem:s23], [sflag:$0x1], $0x80, v3, vm1, $0xb8;
	[tilespmem:$0x18380] =	vst v63  }
0x1b4: {  	v3 =	vld [tilespmem:$0x360];
	_ =	sdelay $0x4  }
0x1b5: {  	v62 =	vshrl.u32 v3, $0x3  }
0x1b6: {  	v4 =	vmul.u32 $0x18, v62  }
0x1b7: {  	v3 =	vand.u32 $0x7, v3  }
0x1b8: {  	v3 =	vor.u32 v3, v4  }
0x1b9: {  	v4 =	vperm.xlane v3, v0;
	_ =	sdelay $0x1  }
0x1ba: {  	v4 =	vadd.s32 v1, v4;
	_ =	sdelay $0x1  }
0x1bb: {  	v3 =	vperm.xlane v3, v2;
	_ =	sdelay $0x1  }
0x1bc: {  	v3 =	vadd.s32 v1, v3  }
0x1bd: {  	[hbm4b:s3+s2] =	stream.indirect_vreg.scatter [tilespmem:s24], [sflag:$0x1], $0x80, v4, vm0, $0xb8;
	[tilespmem:$0x18380] =	vst v63  }
0x1be: {  	_ = 	snop  }
0x1bf: {  	[hbm4b:s4+s2] =	stream.indirect_vreg.scatter [tilespmem:s25], [sflag:$0x1], $0x80, v4, vm1, $0xb8;
	[tilespmem:$0x18380] =	vst v63  }
0x1c0: {  	_ = 	snop  }
0x1c1: {  	[hbm4b:s3+s2] =	stream.indirect_vreg.scatter [tilespmem:s26], [sflag:$0x1], $0x80, v3, vm0, $0xb8;
	[tilespmem:$0x18380] =	vst v63  }
0x1c2: {  	_ = 	snop  }
0x1c3: {  	[hbm4b:s4+s2] =	stream.indirect_vreg.scatter [tilespmem:s28], [sflag:$0x1], $0x80, v3, vm1, $0xb8;
	[tilespmem:$0x18380] =	vst v63  }
0x1c4: {  	v3 =	vld [tilespmem:$0x370];
	_ =	sdelay $0x4  }
0x1c5: {  	v63 =	vshrl.u32 v3, $0x3  }
0x1c6: {  	v4 =	vmul.u32 $0x18, v63  }
0x1c7: {  	v3 =	vand.u32 $0x7, v3  }
0x1c8: {  	v3 =	vor.u32 v3, v4  }
0x1c9: {  	v4 =	vperm.xlane v3, v0;
	_ =	sdelay $0x1  }
0x1ca: {  	v4 =	vadd.s32 v1, v4;
	_ =	sdelay $0x1  }
0x1cb: {  	v3 =	vperm.xlane v3, v2;
	_ =	sdelay $0x1  }
0x1cc: {  	v3 =	vadd.s32 v1, v3  }
0x1cd: {  	[hbm4b:s3+s2] =	stream.indirect_vreg.scatter [tilespmem:s29], [sflag:$0x1], $0x80, v4, vm0, $0xb8;
	[tilespmem:$0x18380] =	vst v63  }
0x1ce: {  	_ = 	snop  }
0x1cf: {  	[hbm4b:s4+s2] =	stream.indirect_vreg.scatter [tilespmem:s30], [sflag:$0x1], $0x80, v4, vm1, $0xb8;
	[tilespmem:$0x18380] =	vst v63  }
0x1d0: {  	p0 =	sne.s32 s5, $0x1  }
0x1d1: {  	[hbm4b:s3+s2] =	stream.indirect_vreg.scatter [tilespmem:s31], [sflag:$0x1], $0x80, v3, vm0, $0xb8;
	[tilespmem:$0x18380] =	vst v63  }
.Ltmp0:
0x1d2: {  	_ = 	snop;
	(pc) =	sbr.rel @p0 .LBB2_1-.Ltmp0, $4  }
0x1d3: {  	[hbm4b:s4+s2] =	stream.indirect_vreg.scatter [tilespmem:s0], [sflag:$0x1], $0x80, v3, vm1, $0xb8;
	[tilespmem:$0x18380] =	vst v63  }
0x1d4: {  	_ =	swait.ge [sflag:s8], $0xC000  }
0x1d5: {  	[sflag:s8] =	ssyncset.done $0x0  }
0x1d6: {  	s5 =	sadd.s32 $0xFFFFFFFF, s5;
	[sflag:s8] =	ssyncadd.s32 $0xFFFF4000  }
0x1d7: {  	_ =	sfence.sel $0x180000  }
0x1d8: {  	[bflag:$0x0] =	sbarrier.arrive $0xFFFF  }
0x1d9: {  	_ =	strace $0x90000047  }
0x1da: {  	s0 =	stileid.u32;
	[bflag:$0x2] =	sbarrier.arrive $0xFFFF  }
0x1db: {  	p0 =	sne.s32 s0, $0x0;
	s0 =	rddreg [dreg:$0x2]  }
0x1dc: {  	s0 =	sadd.s32 @!p0 $0x100000, s0  }
0x1dd: {  	[sflag:s0] =	ssyncadd.tile.s32 @!p0 $0x1;
	_ =	shalt  }
.Lfunc_end2:
_tile_overlayer_lowered:
.L_overlay_start_2:
0x1de: {  	(tag) =	ssettag $0x2  }
0x1df: {  	s0 =	rddreg [dreg:$0x0];
	s2 =	stileid.u32  }
0x1e0: {  	s1 =	rddreg [dreg:$0x1];
	p0 =	sne.s32 s2, $0x0  }
0x1e1: {  	s3 =	rddreg [dreg:$0x2];
	[bflag:$0x3] =	sbarrier.arrive $0xFFFF;
	s2 =	simm.s32 @!p0 $0x1C02  }
0x1e2: {  	[timem:s3], [sflag:s2] =	dma.local @!p0 [hbm:s0], s1  }
0x1e3: {  	s0 =	simm.s32 @!p0 $0x2  }
0x1e4: {  	_ =	swait.ge @!p0 [sflag:s0], s1  }
0x1e5: {  	s1 =	ssub.s32 @!p0 $0x0, s1;
	[sflag:s0] =	ssyncset.done @!p0 $0x0  }
0x1e6: {  	[sflag:s0] =	ssyncadd.s32 @!p0 s1  }
0x1e7: {  	[bflag:$0x3] =	sbarrier.arrive $0xFFFF  }
0x1e8: {  	_ =	shalt  }

// kernel: kernel.9.cloned.1.call-start
scs
__scs_entry_jumppad:
0x0: {  	(pc) =	sbr.rel $0x88, $3  }
0x1: {  	(tag) =	ssettag $0x0;
	lr =	simm.s32 $0x1  }
0x2: {  	[smem:$0x3F9D] =	sst lr;
	_ =	strace $0xD0000000  }
0x3: {  	_ = 	snop  }
0x4: {  	_ = 	snop  }
0x5: {  	_ = 	snop  }
0x6: {  	_ = 	snop  }
0x7: {  	_ = 	snop  }
__scs_overlays_trampoline_lowered:
0x8: {  	[smem:$0x3FAC] =	sst s0  }
0x9: {  	[smem:$0x3FAD] =	sst s1  }
0xa: {  	[smem:$0x3FAE] =	sst s2  }
0xb: {  	[smem:$0x3FAF] =	sst s3  }
0xc: {  	[smem:$0x3FB0] =	sst s4  }
0xd: {  	[smem:$0x3FB1] =	sst s5  }
0xe: {  	[smem:$0x3FB2] =	sst s6  }
0xf: {  	[smem:$0x3FB3] =	sst s7  }
0x10: {  	[smem:$0x3FB4] =	sst s8  }
0x11: {  	[smem:$0x3FB5] =	sst s9;
	s0 =	simm.s32 @!p0 $0x0  }
0x12: {  	s1 =	sld [smem:$0x3F9B];
	s0 =	simm.s32 @p0 $0x1  }
0x13: {  	[smem:$0x3FB6] =	sst s0;
	s0 =	simm.s32 @!p1 $0x0  }
0x14: {  	s2 =	sld [smem:$0x3F9A];
	s0 =	simm.s32 @p1 $0x1  }
0x15: {  	[smem:$0x3FB7] =	sst s0;
	s0 =	simm.s32 @!p2 $0x0  }
0x16: {  	s3 =	sld [smem:$0x3FDB];
	s0 =	simm.s32 @p2 $0x1  }
0x17: {  	s4 =	simm.s32 $0x1BF5;
	[smem:$0x3FB9] =	sst s0  }
0x18: {  	s0 =	sld [smem:$0x3F9C];
	_ =	swait.ge [sflag:s4], $0x0  }
0x19: {  	s7 =	sld [smem:$0x3F9D]  }
0x1a: {  	s8 =	sadd.s32 $0xFFFFE003, lr  }
0x1b: {  	s9 =	sadd.s32 $0xFFFFFEF7, lr;
	s5 =	simm.s32 $0xFFFFFFFF;
	p2 =	slt.u32 s8, $0xFFFFF086  }
0x1c: {  	p1 =	slt.u32 s9, $0xF7A;
	s5 =	simm.s32 @!p2 $0x0  }
0x1d: {  	s5 =	simm.s32 @p1 $0x1;
	p0 =	seq.s32 s7, s2  }
0x1e: {  	s7 =	smul.u32 @!p0 $0xF7A, s2;
	p2 =	seq.s32 @!p0 s5, $0x0  }
0x1f: {  	s9 =	smul.u32 $0xF7A, s1;
	s8 =	simm.s32 @!p0 $0x1BF5;
	p2 =	por !p2, p0  }
0x20: {  	[sflag:s8] =	ssyncset.s32 @!p0 $0xFFFFF086;
	s6 =	sadd.s32 @!p0 s3, s7;
	s7 =	simm.s32 @!p0 $0x108  }
0x21: {  	s3 =	sadd.s32 s3, s9;
	s6 =	sadd.s32 @!p0 $0x88, s6;
	s7 =	simm.s32 @p2 $0x1082  }
0x22: {  	[simem:s7], [sflag:s8] =	dma.local @!p0 [hbm:s6], $0xF7A  }
0x23: {  	s9 =	sor.u32 $0xD0000000, s2;
	s6 =	simm.s32 $0x108;
	_ =	swait.ge @!p0 [sflag:s8], $0x0  }
0x24: {  	s3 =	sadd.s32 $0x88, s3;
	s6 =	simm.s32 @!p1 $0x1082;
	[sflag:s4] =	ssyncset.s32 $0xFFFFF086  }
0x25: {  	[simem:s6], [sflag:s4] =	dma.local [hbm:s3], $0xF7A  }
0x26: {  	[smem:$0x3F9D] =	sst s1;
	(tag) =	ssettag s2;
	_ =	strace s9  }
0x27: {  	s1 =	sld [smem:$0x3FAD]  }
0x28: {  	s2 =	sld [smem:$0x3FAE]  }
0x29: {  	s4 =	sld [smem:$0x3FB0]  }
0x2a: {  	p0 =	seq.s32 s5, $0x0;
	s5 =	sld [smem:$0x3FB1]  }
0x2b: {  	s6 =	sld [smem:$0x3FB2]  }
0x2c: {  	s7 =	sld [smem:$0x3FB3]  }
0x2d: {  	s3 =	simm.s32 $0x108;
	s8 =	sld [smem:$0x3FB4]  }
0x2e: {  	s3 =	simm.s32 @!p0 $0x1082;
	s9 =	sld [smem:$0x3FB5]  }
0x2f: {  	lr =	sadd.s32 s0, s3;
	s0 =	sld [smem:$0x3FAC]  }
0x30: {  	s3 =	sld [smem:$0x3FAF]  }
0x31: {  	[smem:$0x3FB8] =	sst s10  }
0x32: {  	s10 =	sld [smem:$0x3FB6];
	_ =	sdelay $0x3  }
0x33: {  	p0 =	seq.s32 s10, $0x1;
	s10 =	sld [smem:$0x3FB8];
	_ =	sdelay $0x3  }
0x34: {  	[smem:$0x3FB8] =	sst s10  }
0x35: {  	s10 =	sld [smem:$0x3FB7];
	_ =	sdelay $0x3  }
0x36: {  	p1 =	seq.s32 s10, $0x1;
	s10 =	sld [smem:$0x3FB8];
	_ =	sdelay $0x3  }
0x37: {  	[smem:$0x3FB8] =	sst s10  }
0x38: {  	s10 =	sld [smem:$0x3FB9]  }
0x39: {  	_ = 	snop;
	(pc) =	sbr.ind lr, $3  }
0x3a: {  	_ = 	snop  }
0x3b: {  	_ = 	snop  }
0x3c: {  	p2 =	seq.s32 s10, $0x1;
	s10 =	sld [smem:$0x3FB8]  }
0x3d: {  	_ =	shalt  }
0x3e: {  	_ =	shalt  }
0x3f: {  	_ =	shalt  }
0x40: {  	_ =	shalt  }
0x41: {  	_ =	shalt  }
0x42: {  	_ =	shalt  }
0x43: {  	_ =	shalt  }
0x44: {  	_ =	shalt  }
0x45: {  	_ =	shalt  }
0x46: {  	_ =	shalt  }
0x47: {  	_ =	shalt  }
0x48: {  	_ =	shalt  }
0x49: {  	_ =	shalt  }
0x4a: {  	_ =	shalt  }
0x4b: {  	_ =	shalt  }
0x4c: {  	_ =	shalt  }
0x4d: {  	_ =	shalt  }
0x4e: {  	_ =	shalt  }
0x4f: {  	_ =	shalt  }
0x50: {  	_ =	shalt  }
0x51: {  	_ =	shalt  }
0x52: {  	_ =	shalt  }
0x53: {  	_ =	shalt  }
0x54: {  	_ =	shalt  }
0x55: {  	_ =	shalt  }
0x56: {  	_ =	shalt  }
0x57: {  	_ =	shalt  }
0x58: {  	_ =	shalt  }
0x59: {  	_ =	shalt  }
0x5a: {  	_ =	shalt  }
0x5b: {  	_ =	shalt  }
0x5c: {  	_ =	shalt  }
0x5d: {  	_ =	shalt  }
0x5e: {  	_ =	shalt  }
0x5f: {  	_ =	shalt  }
0x60: {  	_ =	shalt  }
0x61: {  	_ =	shalt  }
0x62: {  	_ =	shalt  }
0x63: {  	_ =	shalt  }
0x64: {  	_ =	shalt  }
0x65: {  	_ =	shalt  }
0x66: {  	_ =	shalt  }
0x67: {  	_ =	shalt  }
0x68: {  	_ =	shalt  }
0x69: {  	_ =	shalt  }
0x6a: {  	_ =	shalt  }
0x6b: {  	_ =	shalt  }
0x6c: {  	_ =	shalt  }
0x6d: {  	_ =	shalt  }
0x6e: {  	_ =	shalt  }
0x6f: {  	_ =	shalt  }
0x70: {  	_ =	shalt  }
0x71: {  	_ =	shalt  }
0x72: {  	_ =	shalt  }
0x73: {  	_ =	shalt  }
0x74: {  	_ =	shalt  }
0x75: {  	_ =	shalt  }
0x76: {  	_ =	shalt  }
0x77: {  	_ =	shalt  }
0x78: {  	_ =	shalt  }
0x79: {  	_ =	shalt  }
0x7a: {  	_ =	shalt  }
0x7b: {  	_ =	shalt  }
0x7c: {  	_ =	shalt  }
0x7d: {  	_ =	shalt  }
0x7e: {  	_ =	shalt  }
0x7f: {  	_ =	shalt  }
0x80: {  	_ =	shalt  }
0x81: {  	_ =	shalt  }
0x82: {  	_ =	shalt  }
0x83: {  	_ =	shalt  }
0x84: {  	_ =	shalt  }
0x85: {  	_ =	shalt  }
0x86: {  	_ =	shalt  }
0x87: {  	_ =	shalt  }
.Lfunc_end0:
.L_simem_size_0:
called_computation.1_lowered:
.L_overlay_start_0:
0x88: {  	s2 =	sld [smem:$0x3FD9]  }
0x89: {  	s3 =	sld [smem:$0x3FFE];
	_ =	sdelay $0x1  }
0x8a: {  	s1 =	srdreg.scid  }
0x8b: {  	s0 =	sand.u32 $0x1, s1  }
0x8c: {  	s17 =	sshll.u32 s0, $0xA;
	s2 =	sadd.s32 s3, s2  }
0x8d: {  	s2 =	sadd.s32 s2, s17  }
0x8e: {  	[smem:$0x3FC4] =	sst s2  }
0x8f: {  	_ = 	snop  }
0x90: {  	s2 =	sld [smem:$0x3FD0];
	(tm) =	ssettm $0x1  }
0x91: {  	s18 =	sld [smem:$0x3FFB];
	_ =	sdelay $0x3  }
0x92: {  	_ =	strace s18  }
0x93: {  	s3 =	sld [smem:$0x3FFC];
	_ =	sdelay $0x3  }
0x94: {  	_ =	strace s3  }
0x95: {  	s3 =	sld [smem:$0x3FFD];
	_ =	sdelay $0x3  }
0x96: {  	_ =	strace s3  }
0x97: {  	_ =	strace $0x8FFFFFFF  }
0x98: {  	s19 =	sld [smem:$0x3FDB];
	_ =	sdelay $0x1  }
0x99: {  	s4 =	simm.s32 $_scs_section_size  }
0x9a: {  	s5 =	simm.s32 $_size__tile_overlayer_lowered;
	s6 =	simm.s32 $_tile_overlayer_lowered  }
0x9b: {  	s22 =	simm.s32 $0x1BFF;
	s21 =	sshll.u32 s6, $0x1;
	s3 =	sadd.s32 s4, s19  }
0x9c: {  	s7 =	simm.s32 $0x0;
	s20 =	sshll.u32 s5, $0x1;
	s5 =	sadd.s32 s21, s3  }
0x9d: {  	[timem:s7], [sflag:s22] =	dma.local [hbm:s5], s20  }
0x9e: {  	_ =	swait.ge [sflag:s22], s20  }
0x9f: {  	s4 =	ssub.s32 $0x0, s20;
	[sflag:s22] =	ssyncset.done $0x0  }
0xa0: {  	[sflag:s22] =	ssyncadd.s32 s4;
	_ =	sdelay $0x1  }
0xa1: {  	s23 =	simm.s32 $0x1B8B  }
0xa2: {  	_ =	swait.ge [sflag:s23], $0x1  }
0xa3: {  	[sflag:s23] =	ssyncset.done $0x0  }
0xa4: {  	s25 =	simm.s32 $0x1B8E;
	s24 =	sld [smem:$0x3FFE];
	[sflag:s23] =	ssyncadd.s32 $0xFFFFFFFF  }
0xa5: {  	s26 =	simm.s32 $execute0_lowered;
	[smem:$0x3FD2] =	sst s25  }
0xa6: {  	s5 =	sshll.u32 s26, $0x1;
	_ =	strace $0x80000049;
	[dreg:$0x1] =	wrdreg $0xFFFFFFFF  }
0xa7: {  	s28 =	simm.s32 $_size_execute0_lowered;
	s3 =	sadd.s32 s3, s5;
	[dreg:$0x0] =	wrdreg $0x0  }
0xa8: {  	s5 =	sshll.u32 s28, $0x1;
	[dreg:$0x2] =	wrdreg s3  }
0xa9: {  	[dreg:$0x3] =	wrdreg s5  }
0xaa: {  	[dreg:$0x4] =	wrdreg $0xC0  }
0xab: {  	_ =	task [dreg:s7], $0x5FFFF  }
0xac: {  	[dreg:$0x1] =	wrdreg $0xFFFFFFFF  }
0xad: {  	[dreg:$0x0] =	wrdreg $0x60  }
0xae: {  	[dreg:$0x2] =	wrdreg s24  }
0xaf: {  	[dreg:$0x3] =	wrdreg s2  }
0xb0: {  	[dreg:$0x4] =	wrdreg $0x9  }
0xb1: {  	_ =	task.clear_ibuf [dreg:s7], $0x5FFFF;
	_ =	strace $0x90000049  }
0xb2: {  	s29 =	simm.s32 $0x9;
	_ =	strace $0x8000004B  }
0xb3: {  	_ =	swait.ge [sflag:s29], $0x1  }
0xb4: {  	[sflag:s29] =	ssyncadd.s32 $0xFFFFFFFF  }
0xb5: {  	_ =	strace $0x9000004B  }
0xb6: {  	_ =	sfence  }
0xb7: {  	s30 =	sld [smem:$0x0];
	_ =	sdelay $0x2  }
0xb8: {  	s31 =	sshll.u32 s1, $0xD;
	s1 =	sshrl.u32 s1, $0x2  }
0xb9: {  	s3 =	sand.u32 $0x4000, s31;
	s1 =	sadd.s32 s1, s30  }
0xba: {  	s0 =	sor.u32 s3, s0;
	s1 =	sshll.u32 s1, $0x11  }
0xbb: {  	s0 =	sor.u32 s1, s0  }
0xbc: {  	s0 =	sadd.s32 $0x8F2B, s0  }
0xbd: {  	[sflag:s0] =	ssyncadd.remote.s32 $0x1  }
0xbe: {  	_ =	sfence.sel $0xFFFF  }
0xbf: {  	[dreg:$0x0] =	wrdreg $0xFFFFFFFF;
	(pc) =	sbr.abs _section_cstart, $3  }
0xc0: {  	[dreg:$0x1] =	wrdreg $0xFFFFFFFF  }
0xc1: {  	_ =	task.clear_ibuf [dreg:s7], $0x2FFFF;
	_ =	strace $0x9FFFFFFF  }
0xc2: {  	(tm) =	ssettm $0x7FFFFFFF  }
0xc3: {  	_ =	shalt  }
tec
execute0_lowered:
.L_overlay_start_1:
0x0: {  	(tag) =	ssettag $0x1  }
0x1: {  	s1 =	srdreg.scid;
	s3 =	rddreg [dreg:$0x0]  }
0x2: {  	s0 =	stileid.u32;
	s4 =	rddreg [dreg:$0x1];
	s19 =	simm.s32 $0x900  }
0x3: {  	s20 =	simm.s32 $0x1100;
	s21 =	simm.s32 $0x1900;
	s23 =	simm.s32 $0x2100  }
0x4: {  	s24 =	simm.s32 $0x2900;
	s25 =	simm.s32 $0x3100;
	s26 =	simm.s32 $0x3900  }
0x5: {  	s8 =	simm.s32 $0x4900;
	s9 =	simm.s32 $0x5100;
	s10 =	simm.s32 $0x5900  }
0x6: {  	s11 =	simm.s32 $0x6100;
	s12 =	simm.s32 $0x6900;
	s13 =	simm.s32 $0x7100  }
0x7: {  	s14 =	simm.s32 $0x7900;
	s15 =	simm.s32 $0x1;
	s16 =	simm.s32 $0x8100  }
0x8: {  	s17 =	simm.s32 $0x8900;
	s1 =	sand.u32 $0x1, s1;
	s2 =	sshll.u32 s0, $0x1  }
0x9: {  	s18 =	simm.s32 $0x9100;
	s5 =	sor.u32 s1, s2;
	s2 =	simm.s32 $0x0  }
0xa: {  	s28 =	simm.s32 $0xD900;
	s29 =	simm.s32 $0xE100;
	[smem:$0x7FF] =	sst s2  }
0xb: {  	s30 =	simm.s32 $0xE900;
	_ =	strace $0x8000004A;
	[dreg:$0x5] =	wrdreg s19  }
0xc: {  	s31 =	simm.s32 $0xF100;
	s1 =	ssub.s32 $0x2, s1;
	[dreg:$0x6] =	wrdreg s20  }
0xd: {  	s6 =	sshll.u32 s5, $0x5;
	s5 =	sshll.u32 s5, $0xD;
	[dreg:$0x7] =	wrdreg s21  }
0xe: {  	s22 =	sshrl.u32 s1, $0x1;
	s6 =	sadd.s32 s6, s3;
	[dreg:$0x8] =	wrdreg s23  }
0xf: {  	s4 =	sadd.s32 s4, s5;
	s3 =	sadd.s32 $0x2000, s3;
	[dreg:$0x9] =	wrdreg s24  }
0x10: {  	s1 =	ssub.s32 s1, s22;
	s5 =	simm.s32 $0x2;
	[dreg:$0xa] =	wrdreg s25  }
0x11: {  	[dreg:$0xb] =	wrdreg s26;
	s19 =	simm.s32 $0x9900;
	s20 =	simm.s32 $0xA100  }
0x12: {  	s21 =	simm.s32 $0xA900;
	s22 =	simm.s32 $0xB100;
	s23 =	simm.s32 $0xB900  }
0x13: {  	v2 =	vlaneseq.u32;
	s24 =	simm.s32 $0xC100;
	s25 =	simm.s32 $0xC900;
	s26 =	simm.s32 $0xD100  }
0x14: {  	vm0 =	vmmov $0xffff;
	v1 =	vshrl.u32 v2, $0x3;
	s6 =	sadd.s32 $0xC2600, s6;
	[dreg:$0x4] =	wrdreg s4;
	s4 =	smax.u32 s1, $0x1  }
0x15: {  	v0 =	vand.u32 $0x7, v2;
	v2 =	vor.u32 $0x8, v2;
	v1 =	vmul.u32 $0x8, v1;
	s1 =	simm.s32 $0xF900;
	[dreg:$0x3] =	wrdreg s6;
	s6 =	simm.s32 $0x100  }
.LBB2_1:
0x16: {  	s0 =	rddreg [dreg:$0x3]  }
0x17: {  	[tilespmem:s2], [sflag:$0x2] =	stream.linear.gather [hbm4b:s0+s2], $0x100, $0x38;
	[tilespmem:$0x10100] =	vst v63  }
0x18: {  	_ =	swait.ge [sflag:s5], $0x100  }
0x19: {  	[sflag:s5] =	ssyncset.done $0x0  }
0x1a: {  	[sflag:s5] =	ssyncadd.s32 $0xFFFFFF00  }
0x1b: {  	v3 =	vld [tilespmem:$0x0];
	_ =	sdelay $0x4  }
0x1c: {  	v4 =	vshll.u32 v3, $0x1  }
0x1d: {  	v3 =	vand.u32 $0x7, v3;
	v4 =	vand.u32 $0xFFFFFFF0, v4  }
0x1e: {  	v3 =	vor.u32 v3, v4  }
0x1f: {  	v4 =	vperm.xlane v3, v0;
	_ =	sdelay $0x1  }
0x20: {  	v3 =	vperm.xlane v3, v2;
	v4 =	vadd.s32 v1, v4;
	_ =	sdelay $0x1  }
0x21: {  	v3 =	vadd.s32 v1, v3;
	_ =	sdelay $0x2  }
0x22: {  	[tilespmem:s6], [sflag:$0x1] =	stream.indirect_vreg.gather [hbm4b:s3+s2], $0x80, v4, vm0, $0xb8;
	[tilespmem:$0x10100] =	vst v63  }
0x23: {  	s7 =	rddreg [dreg:$0x5]  }
0x24: {  	[tilespmem:s7], [sflag:$0x1] =	stream.indirect_vreg.gather [hbm4b:s3+s2], $0x80, v3, vm0, $0xb8;
	[tilespmem:$0x10100] =	vst v63  }
0x25: {  	v3 =	vld [tilespmem:$0x10];
	_ =	sdelay $0x4  }
0x26: {  	v49 =	vshll.u32 v3, $0x1  }
0x27: {  	v3 =	vand.u32 $0x7, v3;
	v4 =	vand.u32 $0xFFFFFFF0, v49  }
0x28: {  	v3 =	vor.u32 v3, v4  }
0x29: {  	v4 =	vperm.xlane v3, v0;
	_ =	sdelay $0x1  }
0x2a: {  	v3 =	vperm.xlane v3, v2;
	v4 =	vadd.s32 v1, v4;
	_ =	sdelay $0x1  }
0x2b: {  	v3 =	vadd.s32 v1, v3;
	_ =	sdelay $0x1  }
0x2c: {  	s0 =	rddreg [dreg:$0x6]  }
0x2d: {  	[tilespmem:s0], [sflag:$0x1] =	stream.indirect_vreg.gather [hbm4b:s3+s2], $0x80, v4, vm0, $0xb8;
	[tilespmem:$0x10100] =	vst v63  }
0x2e: {  	s7 =	rddreg [dreg:$0x7]  }
0x2f: {  	[tilespmem:s7], [sflag:$0x1] =	stream.indirect_vreg.gather [hbm4b:s3+s2], $0x80, v3, vm0, $0xb8;
	[tilespmem:$0x10100] =	vst v63  }
0x30: {  	v3 =	vld [tilespmem:$0x20];
	_ =	sdelay $0x4  }
0x31: {  	v50 =	vshll.u32 v3, $0x1  }
0x32: {  	v3 =	vand.u32 $0x7, v3;
	v4 =	vand.u32 $0xFFFFFFF0, v50  }
0x33: {  	v3 =	vor.u32 v3, v4  }
0x34: {  	v4 =	vperm.xlane v3, v0;
	_ =	sdelay $0x1  }
0x35: {  	v3 =	vperm.xlane v3, v2;
	v4 =	vadd.s32 v1, v4;
	_ =	sdelay $0x1  }
0x36: {  	v3 =	vadd.s32 v1, v3;
	_ =	sdelay $0x1  }
0x37: {  	s0 =	rddreg [dreg:$0x8]  }
0x38: {  	[tilespmem:s0], [sflag:$0x1] =	stream.indirect_vreg.gather [hbm4b:s3+s2], $0x80, v4, vm0, $0xb8;
	[tilespmem:$0x10100] =	vst v63  }
0x39: {  	s7 =	rddreg [dreg:$0x9]  }
0x3a: {  	[tilespmem:s7], [sflag:$0x1] =	stream.indirect_vreg.gather [hbm4b:s3+s2], $0x80, v3, vm0, $0xb8;
	[tilespmem:$0x10100] =	vst v63  }
0x3b: {  	v3 =	vld [tilespmem:$0x30];
	_ =	sdelay $0x4  }
0x3c: {  	v51 =	vshll.u32 v3, $0x1  }
0x3d: {  	v3 =	vand.u32 $0x7, v3;
	v4 =	vand.u32 $0xFFFFFFF0, v51  }
0x3e: {  	v3 =	vor.u32 v3, v4  }
0x3f: {  	v4 =	vperm.xlane v3, v0;
	_ =	sdelay $0x1  }
0x40: {  	v3 =	vperm.xlane v3, v2;
	v4 =	vadd.s32 v1, v4;
	_ =	sdelay $0x1  }
0x41: {  	v3 =	vadd.s32 v1, v3;
	_ =	sdelay $0x1  }
0x42: {  	s0 =	rddreg [dreg:$0xa]  }
0x43: {  	[tilespmem:s0], [sflag:$0x1] =	stream.indirect_vreg.gather [hbm4b:s3+s2], $0x80, v4, vm0, $0xb8;
	[tilespmem:$0x10100] =	vst v63  }
0x44: {  	s7 =	rddreg [dreg:$0xb]  }
0x45: {  	[tilespmem:s7], [sflag:$0x1] =	stream.indirect_vreg.gather [hbm4b:s3+s2], $0x80, v3, vm0, $0xb8;
	[tilespmem:$0x10100] =	vst v63  }
0x46: {  	v3 =	vld [tilespmem:$0x40];
	_ =	sdelay $0x4  }
0x47: {  	v52 =	vshll.u32 v3, $0x1  }
0x48: {  	v3 =	vand.u32 $0x7, v3;
	v4 =	vand.u32 $0xFFFFFFF0, v52  }
0x49: {  	v3 =	vor.u32 v3, v4  }
0x4a: {  	v4 =	vperm.xlane v3, v0;
	_ =	sdelay $0x1  }
0x4b: {  	v3 =	vperm.xlane v3, v2;
	v4 =	vadd.s32 v1, v4;
	_ =	sdelay $0x1  }
0x4c: {  	v3 =	vadd.s32 v1, v3;
	_ =	sdelay $0x1  }
0x4d: {  	s7 =	simm.s32 $0x4100  }
0x4e: {  	[tilespmem:s7], [sflag:$0x1] =	stream.indirect_vreg.gather [hbm4b:s3+s2], $0x80, v4, vm0, $0xb8;
	[tilespmem:$0x10100] =	vst v63  }
0x4f: {  	_ = 	snop  }
0x50: {  	[tilespmem:s8], [sflag:$0x1] =	stream.indirect_vreg.gather [hbm4b:s3+s2], $0x80, v3, vm0, $0xb8;
	[tilespmem:$0x10100] =	vst v63  }
0x51: {  	v3 =	vld [tilespmem:$0x50];
	_ =	sdelay $0x4  }
0x52: {  	v53 =	vshll.u32 v3, $0x1  }
0x53: {  	v3 =	vand.u32 $0x7, v3;
	v4 =	vand.u32 $0xFFFFFFF0, v53  }
0x54: {  	v3 =	vor.u32 v3, v4  }
0x55: {  	v4 =	vperm.xlane v3, v0;
	_ =	sdelay $0x1  }
0x56: {  	v3 =	vperm.xlane v3, v2;
	v4 =	vadd.s32 v1, v4;
	_ =	sdelay $0x1  }
0x57: {  	v3 =	vadd.s32 v1, v3;
	_ =	sdelay $0x2  }
0x58: {  	[tilespmem:s9], [sflag:$0x1] =	stream.indirect_vreg.gather [hbm4b:s3+s2], $0x80, v4, vm0, $0xb8;
	[tilespmem:$0x10100] =	vst v63  }
0x59: {  	_ = 	snop  }
0x5a: {  	[tilespmem:s10], [sflag:$0x1] =	stream.indirect_vreg.gather [hbm4b:s3+s2], $0x80, v3, vm0, $0xb8;
	[tilespmem:$0x10100] =	vst v63  }
0x5b: {  	v3 =	vld [tilespmem:$0x60];
	_ =	sdelay $0x4  }
0x5c: {  	v54 =	vshll.u32 v3, $0x1  }
0x5d: {  	v3 =	vand.u32 $0x7, v3;
	v4 =	vand.u32 $0xFFFFFFF0, v54  }
0x5e: {  	v3 =	vor.u32 v3, v4  }
0x5f: {  	v4 =	vperm.xlane v3, v0;
	_ =	sdelay $0x1  }
0x60: {  	v3 =	vperm.xlane v3, v2;
	v4 =	vadd.s32 v1, v4;
	_ =	sdelay $0x1  }
0x61: {  	v3 =	vadd.s32 v1, v3;
	_ =	sdelay $0x2  }
0x62: {  	[tilespmem:s11], [sflag:$0x1] =	stream.indirect_vreg.gather [hbm4b:s3+s2], $0x80, v4, vm0, $0xb8;
	[tilespmem:$0x10100] =	vst v63  }
0x63: {  	_ = 	snop  }
0x64: {  	[tilespmem:s12], [sflag:$0x1] =	stream.indirect_vreg.gather [hbm4b:s3+s2], $0x80, v3, vm0, $0xb8;
	[tilespmem:$0x10100] =	vst v63  }
0x65: {  	v3 =	vld [tilespmem:$0x70];
	_ =	sdelay $0x4  }
0x66: {  	v55 =	vshll.u32 v3, $0x1  }
0x67: {  	v3 =	vand.u32 $0x7, v3;
	v4 =	vand.u32 $0xFFFFFFF0, v55  }
0x68: {  	v3 =	vor.u32 v3, v4  }
0x69: {  	v4 =	vperm.xlane v3, v0;
	_ =	sdelay $0x1  }
0x6a: {  	v3 =	vperm.xlane v3, v2;
	v4 =	vadd.s32 v1, v4;
	_ =	sdelay $0x1  }
0x6b: {  	v3 =	vadd.s32 v1, v3;
	_ =	sdelay $0x2  }
0x6c: {  	[tilespmem:s13], [sflag:$0x1] =	stream.indirect_vreg.gather [hbm4b:s3+s2], $0x80, v4, vm0, $0xb8;
	[tilespmem:$0x10100] =	vst v63  }
0x6d: {  	_ = 	snop  }
0x6e: {  	[tilespmem:s14], [sflag:$0x1] =	stream.indirect_vreg.gather [hbm4b:s3+s2], $0x80, v3, vm0, $0xb8;
	[tilespmem:$0x10100] =	vst v63  }
0x6f: {  	_ =	swait.ge [sflag:s15], $0x8000  }
0x70: {  	[sflag:s15] =	ssyncset.done $0x0  }
0x71: {  	[sflag:s15] =	ssyncadd.s32 $0xFFFF8000  }
0x72: {  	v3 =	vld [tilespmem:$0x80];
	_ =	sdelay $0x4  }
0x73: {  	v56 =	vshll.u32 v3, $0x1  }
0x74: {  	v3 =	vand.u32 $0x7, v3;
	v4 =	vand.u32 $0xFFFFFFF0, v56  }
0x75: {  	v3 =	vor.u32 v3, v4  }
0x76: {  	v4 =	vperm.xlane v3, v0;
	_ =	sdelay $0x1  }
0x77: {  	v3 =	vperm.xlane v3, v2;
	v4 =	vadd.s32 v1, v4;
	_ =	sdelay $0x1  }
0x78: {  	v3 =	vadd.s32 v1, v3;
	_ =	sdelay $0x2  }
0x79: {  	[tilespmem:s16], [sflag:$0x1] =	stream.indirect_vreg.gather [hbm4b:s3+s2], $0x80, v4, vm0, $0xb8;
	[tilespmem:$0x10100] =	vst v63  }
0x7a: {  	_ = 	snop  }
0x7b: {  	[tilespmem:s17], [sflag:$0x1] =	stream.indirect_vreg.gather [hbm4b:s3+s2], $0x80, v3, vm0, $0xb8;
	[tilespmem:$0x10100] =	vst v63  }
0x7c: {  	v3 =	vld [tilespmem:$0x90];
	_ =	sdelay $0x4  }
0x7d: {  	v57 =	vshll.u32 v3, $0x1  }
0x7e: {  	v3 =	vand.u32 $0x7, v3;
	v4 =	vand.u32 $0xFFFFFFF0, v57  }
0x7f: {  	v3 =	vor.u32 v3, v4  }
0x80: {  	v4 =	vperm.xlane v3, v0;
	_ =	sdelay $0x1  }
0x81: {  	v3 =	vperm.xlane v3, v2;
	v4 =	vadd.s32 v1, v4;
	_ =	sdelay $0x1  }
0x82: {  	v3 =	vadd.s32 v1, v3;
	_ =	sdelay $0x2  }
0x83: {  	[tilespmem:s18], [sflag:$0x1] =	stream.indirect_vreg.gather [hbm4b:s3+s2], $0x80, v4, vm0, $0xb8;
	[tilespmem:$0x10100] =	vst v63  }
0x84: {  	_ = 	snop  }
0x85: {  	[tilespmem:s19], [sflag:$0x1] =	stream.indirect_vreg.gather [hbm4b:s3+s2], $0x80, v3, vm0, $0xb8;
	[tilespmem:$0x10100] =	vst v63  }
0x86: {  	v3 =	vld [tilespmem:$0xA0];
	_ =	sdelay $0x4  }
0x87: {  	v58 =	vshll.u32 v3, $0x1  }
0x88: {  	v3 =	vand.u32 $0x7, v3;
	v4 =	vand.u32 $0xFFFFFFF0, v58  }
0x89: {  	v3 =	vor.u32 v3, v4  }
0x8a: {  	v4 =	vperm.xlane v3, v0;
	_ =	sdelay $0x1  }
0x8b: {  	v3 =	vperm.xlane v3, v2;
	v4 =	vadd.s32 v1, v4;
	_ =	sdelay $0x1  }
0x8c: {  	v3 =	vadd.s32 v1, v3;
	_ =	sdelay $0x2  }
0x8d: {  	[tilespmem:s20], [sflag:$0x1] =	stream.indirect_vreg.gather [hbm4b:s3+s2], $0x80, v4, vm0, $0xb8;
	[tilespmem:$0x10100] =	vst v63  }
0x8e: {  	_ = 	snop  }
0x8f: {  	[tilespmem:s21], [sflag:$0x1] =	stream.indirect_vreg.gather [hbm4b:s3+s2], $0x80, v3, vm0, $0xb8;
	[tilespmem:$0x10100] =	vst v63  }
0x90: {  	v3 =	vld [tilespmem:$0xB0];
	_ =	sdelay $0x4  }
0x91: {  	v59 =	vshll.u32 v3, $0x1  }
0x92: {  	v3 =	vand.u32 $0x7, v3;
	v4 =	vand.u32 $0xFFFFFFF0, v59  }
0x93: {  	v3 =	vor.u32 v3, v4  }
0x94: {  	v4 =	vperm.xlane v3, v0;
	_ =	sdelay $0x1  }
0x95: {  	v3 =	vperm.xlane v3, v2;
	v4 =	vadd.s32 v1, v4;
	_ =	sdelay $0x1  }
0x96: {  	v3 =	vadd.s32 v1, v3;
	_ =	sdelay $0x2  }
0x97: {  	[tilespmem:s22], [sflag:$0x1] =	stream.indirect_vreg.gather [hbm4b:s3+s2], $0x80, v4, vm0, $0xb8;
	[tilespmem:$0x10100] =	vst v63  }
0x98: {  	_ = 	snop  }
0x99: {  	[tilespmem:s23], [sflag:$0x1] =	stream.indirect_vreg.gather [hbm4b:s3+s2], $0x80, v3, vm0, $0xb8;
	[tilespmem:$0x10100] =	vst v63  }
0x9a: {  	v3 =	vld [tilespmem:$0xC0];
	_ =	sdelay $0x4  }
0x9b: {  	v60 =	vshll.u32 v3, $0x1  }
0x9c: {  	v3 =	vand.u32 $0x7, v3;
	v4 =	vand.u32 $0xFFFFFFF0, v60  }
0x9d: {  	v3 =	vor.u32 v3, v4  }
0x9e: {  	v4 =	vperm.xlane v3, v0;
	_ =	sdelay $0x1  }
0x9f: {  	v3 =	vperm.xlane v3, v2;
	v4 =	vadd.s32 v1, v4;
	_ =	sdelay $0x1  }
0xa0: {  	v3 =	vadd.s32 v1, v3;
	_ =	sdelay $0x2  }
0xa1: {  	[tilespmem:s24], [sflag:$0x1] =	stream.indirect_vreg.gather [hbm4b:s3+s2], $0x80, v4, vm0, $0xb8;
	[tilespmem:$0x10100] =	vst v63  }
0xa2: {  	_ = 	snop  }
0xa3: {  	[tilespmem:s25], [sflag:$0x1] =	stream.indirect_vreg.gather [hbm4b:s3+s2], $0x80, v3, vm0, $0xb8;
	[tilespmem:$0x10100] =	vst v63  }
0xa4: {  	v3 =	vld [tilespmem:$0xD0];
	_ =	sdelay $0x4  }
0xa5: {  	v61 =	vshll.u32 v3, $0x1  }
0xa6: {  	v3 =	vand.u32 $0x7, v3;
	v4 =	vand.u32 $0xFFFFFFF0, v61  }
0xa7: {  	v3 =	vor.u32 v3, v4  }
0xa8: {  	v4 =	vperm.xlane v3, v0;
	_ =	sdelay $0x1  }
0xa9: {  	v3 =	vperm.xlane v3, v2;
	v4 =	vadd.s32 v1, v4;
	_ =	sdelay $0x1  }
0xaa: {  	v3 =	vadd.s32 v1, v3;
	_ =	sdelay $0x2  }
0xab: {  	[tilespmem:s26], [sflag:$0x1] =	stream.indirect_vreg.gather [hbm4b:s3+s2], $0x80, v4, vm0, $0xb8;
	[tilespmem:$0x10100] =	vst v63  }
0xac: {  	_ = 	snop  }
0xad: {  	[tilespmem:s28], [sflag:$0x1] =	stream.indirect_vreg.gather [hbm4b:s3+s2], $0x80, v3, vm0, $0xb8;
	[tilespmem:$0x10100] =	vst v63  }
0xae: {  	v3 =	vld [tilespmem:$0xE0];
	_ =	sdelay $0x4  }
0xaf: {  	v62 =	vshll.u32 v3, $0x1  }
0xb0: {  	v3 =	vand.u32 $0x7, v3;
	v4 =	vand.u32 $0xFFFFFFF0, v62  }
0xb1: {  	v3 =	vor.u32 v3, v4  }
0xb2: {  	v4 =	vperm.xlane v3, v0;
	_ =	sdelay $0x1  }
0xb3: {  	v3 =	vperm.xlane v3, v2;
	v4 =	vadd.s32 v1, v4;
	_ =	sdelay $0x1  }
0xb4: {  	v3 =	vadd.s32 v1, v3;
	_ =	sdelay $0x2  }
0xb5: {  	[tilespmem:s29], [sflag:$0x1] =	stream.indirect_vreg.gather [hbm4b:s3+s2], $0x80, v4, vm0, $0xb8;
	[tilespmem:$0x10100] =	vst v63  }
0xb6: {  	_ = 	snop  }
0xb7: {  	[tilespmem:s30], [sflag:$0x1] =	stream.indirect_vreg.gather [hbm4b:s3+s2], $0x80, v3, vm0, $0xb8;
	[tilespmem:$0x10100] =	vst v63  }
0xb8: {  	v3 =	vld [tilespmem:$0xF0];
	_ =	sdelay $0x4  }
0xb9: {  	v63 =	vshll.u32 v3, $0x1  }
0xba: {  	v3 =	vand.u32 $0x7, v3;
	v4 =	vand.u32 $0xFFFFFFF0, v63  }
0xbb: {  	v3 =	vor.u32 v3, v4  }
0xbc: {  	v4 =	vperm.xlane v3, v0;
	_ =	sdelay $0x1  }
0xbd: {  	v3 =	vperm.xlane v3, v2;
	v4 =	vadd.s32 v1, v4;
	_ =	sdelay $0x1  }
0xbe: {  	v3 =	vadd.s32 v1, v3;
	_ =	sdelay $0x2  }
0xbf: {  	[tilespmem:s31], [sflag:$0x1] =	stream.indirect_vreg.gather [hbm4b:s3+s2], $0x80, v4, vm0, $0xb8;
	[tilespmem:$0x10100] =	vst v63  }
0xc0: {  	_ = 	snop  }
0xc1: {  	[tilespmem:s1], [sflag:$0x1] =	stream.indirect_vreg.gather [hbm4b:s3+s2], $0x80, v3, vm0, $0xb8;
	[tilespmem:$0x10100] =	vst v63  }
0xc2: {  	_ =	swait.ge [sflag:s15], $0x8000  }
0xc3: {  	p0 =	sne.s32 s4, $0x1;
	[sflag:s15] =	ssyncset.done $0x0  }
.Ltmp0:
0xc4: {  	s7 =	rddreg [dreg:$0x4];
	[sflag:s15] =	ssyncadd.s32 $0xFFFF8000;
	(pc) =	sbr.rel @p0 .LBB2_1-.Ltmp0, $4  }
0xc5: {  	[hbm4b:s7+s2] =	stream.linear.scatter [tilespmem:s6], [sflag:$0x2], $0x10000, $0x38;
	[tilespmem:$0x10100] =	vst v63  }
0xc6: {  	_ =	swait.ge [sflag:s5], $0x10000  }
0xc7: {  	[sflag:s5] =	ssyncset.done $0x0  }
0xc8: {  	s4 =	sadd.s32 $0xFFFFFFFF, s4;
	[sflag:s5] =	ssyncadd.s32 $0xFFFF0000  }
0xc9: {  	_ =	sfence.sel $0x180000  }
0xca: {  	[bflag:$0x0] =	sbarrier.arrive $0xFFFF  }
0xcb: {  	_ =	strace $0x9000004A  }
0xcc: {  	s0 =	stileid.u32;
	[bflag:$0x2] =	sbarrier.arrive $0xFFFF  }
0xcd: {  	p0 =	sne.s32 s0, $0x0;
	s0 =	rddreg [dreg:$0x2]  }
0xce: {  	s0 =	sadd.s32 @!p0 $0x100000, s0  }
0xcf: {  	[sflag:s0] =	ssyncadd.tile.s32 @!p0 $0x1;
	_ =	shalt  }
.Lfunc_end2:
_tile_overlayer_lowered:
.L_overlay_start_2:
0xd0: {  	(tag) =	ssettag $0x2  }
0xd1: {  	s0 =	rddreg [dreg:$0x0];
	s2 =	stileid.u32  }
0xd2: {  	s1 =	rddreg [dreg:$0x1];
	p0 =	sne.s32 s2, $0x0  }
0xd3: {  	s3 =	rddreg [dreg:$0x2];
	[bflag:$0x3] =	sbarrier.arrive $0xFFFF;
	s2 =	simm.s32 @!p0 $0x1C02  }
0xd4: {  	[timem:s3], [sflag:s2] =	dma.local @!p0 [hbm:s0], s1  }
0xd5: {  	s0 =	simm.s32 @!p0 $0x2  }
0xd6: {  	_ =	swait.ge @!p0 [sflag:s0], s1  }
0xd7: {  	s1 =	ssub.s32 @!p0 $0x0, s1;
	[sflag:s0] =	ssyncset.done @!p0 $0x0  }
0xd8: {  	[sflag:s0] =	ssyncadd.s32 @!p0 s1  }
0xd9: {  	[bflag:$0x3] =	sbarrier.arrive $0xFFFF  }
0xda: {  	_ =	shalt  }

</sc_bundles>
